<compile_context>
chip_gen: v7x
topology: tpu7x:2x2x1
jax: 0.10.2.dev20260603
libtpu: 0.0.44.dev20260713+nightly
codegen_flags: <defaults>
</compile_context>

<pallas_src>
import functools

import jax
import jax.numpy as jnp
from jax import lax
from jax.experimental import pallas as pl
from jax.experimental.pallas import tpu as pltpu
from jax.experimental.pallas import tpu_sc as plsc

N_NODES = 10000
N_PAD = 10240
N_EDGES = 320000
D = 128
CW = 16

NC = 2
NS = 16
NW = NC * NS
EDGES_PER_TILE = N_EDGES // NW
CHUNK = 80
CHUNKS_PER_TILE = EDGES_PER_TILE // CHUNK
ROWS_PER_TILE = N_PAD // NS
NBUF = 5
ZR = 64
BM = 2000

_MESH = plsc.VectorSubcoreMesh(core_axis_name="c", subcore_axis_name="s")
_SC_PARAMS = pltpu.CompilerParams(use_tc_tiling_on_sc=False)


def _tile_ids():
    c = lax.axis_index("c")
    s = lax.axis_index("s")
    return c, s, s * NC + c


def _stage_idx(edges_hbm, row, idx_v, wid):
    pltpu.sync_copy(
        edges_hbm.at[row, pl.ds(wid * EDGES_PER_TILE, EDGES_PER_TILE)], idx_v)


def _make_sc_segsum(with_cnt):
    out_types = [jax.ShapeDtypeStruct((N_PAD, NC * D), jnp.bfloat16)]
    scratch = [
        pltpu.VMEM((EDGES_PER_TILE,), jnp.int32),
        pltpu.VMEM((EDGES_PER_TILE,), jnp.int32),
        pltpu.VMEM((ZR, D), jnp.bfloat16),
        [pltpu.VMEM((CHUNK, D), jnp.bfloat16)] * NBUF,
        pltpu.VMEM_SHARED((N_PAD, D), jnp.bfloat16),
        [pltpu.SemaphoreType.DMA] * NBUF,
        [pltpu.SemaphoreType.DMA] * NBUF,
        pltpu.SemaphoreType.DMA,
    ]
    if with_cnt:
        out_types.append(jax.ShapeDtypeStruct((N_PAD, NC * CW), jnp.float32))
        scratch += [
            pltpu.VMEM((CHUNK, CW), jnp.float32),
            pltpu.VMEM((ZR, CW), jnp.float32),
            pltpu.VMEM_SHARED((N_PAD, CW), jnp.float32),
        ]

    @functools.partial(
        pl.kernel,
        mesh=_MESH,
        compiler_params=_SC_PARAMS,
        out_type=out_types,
        scratch_types=scratch,
    )
    def sc_segsum(table_hbm, edges_hbm, *refs):
        if with_cnt:
            (out_hbm, cnt_hbm,
             src_v, dst_v, zrow_v, rows, acc, gs, ss, cs,
             ones_v, zcnt_v, cacc) = refs
        else:
            out_hbm, src_v, dst_v, zrow_v, rows, acc, gs, ss, cs = refs
        c, s, wid = _tile_ids()
        row0 = s * ROWS_PER_TILE
        _stage_idx(edges_hbm, 0, src_v, wid)
        _stage_idx(edges_hbm, 1, dst_v, wid)

        def _fill(i, carry):
            for k in range(D // 32):
                zrow_v[i, pl.ds(k * 32, 32)] = jnp.zeros((32,), jnp.bfloat16)
            if with_cnt:
                @pl.when(i < CHUNK)
                def _():
                    ones_v[i, pl.ds(0, CW)] = jnp.ones((CW,), jnp.float32)
                @pl.when(i < ZR)
                def _():
                    zcnt_v[i, pl.ds(0, CW)] = jnp.zeros((CW,), jnp.float32)
            return carry
        lax.fori_loop(0, max(ZR, CHUNK), _fill, 0)

        def _zero(k, carry):
            pltpu.sync_copy(zrow_v, acc.at[pl.ds(row0 + k * ZR, ZR)])
            if with_cnt:
                pltpu.sync_copy(zcnt_v, cacc.at[pl.ds(row0 + k * ZR, ZR)])
            return carry
        lax.fori_loop(0, ROWS_PER_TILE // ZR, _zero, 0)
        plsc.subcore_barrier()

        def _idx(j):
            return lambda ref: ref.at[pl.ds(j * CHUNK, CHUNK)]

        for b in range(NBUF - 1):
            pltpu.async_copy(table_hbm.at[_idx(b)(src_v)], rows[b], gs[b])

        def _group(i, carry):
            for b in range(NBUF):
                j = i * NBUF + b
                jn = j + NBUF - 1
                bn = (NBUF - 1 + b) % NBUF

                @pl.when(j > 0)
                def _():
                    pltpu.make_async_copy(rows[bn],
                                          acc.at[_idx(j - 1)(dst_v)],
                                          ss[bn]).wait()

                @pl.when(jn < CHUNKS_PER_TILE)
                def _():
                    pltpu.async_copy(table_hbm.at[_idx(jn)(src_v)], rows[bn],
                                     gs[bn])
                pltpu.make_async_copy(table_hbm.at[_idx(j)(src_v)], rows[b],
                                      gs[b]).wait()
                pltpu.async_copy(rows[b], acc.at[_idx(j)(dst_v)], ss[b],
                                 add=True)
                if with_cnt:
                    pltpu.async_copy(ones_v, cacc.at[_idx(j)(dst_v)], cs,
                                     add=True)

                    @pl.when(j > 0)
                    def _():
                        pltpu.make_async_copy(ones_v,
                                              cacc.at[_idx(j - 1)(dst_v)],
                                              cs).wait()
            return carry
        lax.fori_loop(0, CHUNKS_PER_TILE // NBUF, _group, 0)
        lastb = (CHUNKS_PER_TILE - 1) % NBUF
        pltpu.make_async_copy(rows[lastb],
                              acc.at[_idx(CHUNKS_PER_TILE - 1)(dst_v)],
                              ss[lastb]).wait()
        if with_cnt:
            pltpu.make_async_copy(ones_v,
                                  cacc.at[_idx(CHUNKS_PER_TILE - 1)(dst_v)],
                                  cs).wait()
        plsc.subcore_barrier()

        pltpu.sync_copy(acc.at[pl.ds(row0, ROWS_PER_TILE)],
                        out_hbm.at[pl.ds(row0, ROWS_PER_TILE),
                                   pl.ds(c * D, D)])
        if with_cnt:
            pltpu.sync_copy(cacc.at[pl.ds(row0, ROWS_PER_TILE)],
                            cnt_hbm.at[pl.ds(row0, ROWS_PER_TILE),
                                       pl.ds(c * CW, CW)])

    return sc_segsum


_sc_segsum_cnt = _make_sc_segsum(True)
_sc_segsum = _make_sc_segsum(False)


def _tc1_body(x_ref, s_ref, c_ref, At_ref, Bt_ref, b_ref, o_ref):
    cnt = c_ref[:, 0:1] + c_ref[:, CW:CW + 1]
    sblk = (s_ref[:, :D].astype(jnp.float32)
            + s_ref[:, D:].astype(jnp.float32))
    inv = jnp.where(cnt > 0.0, 1.0 / jnp.maximum(cnt, 1.0), 0.0)
    mm = jnp.dot(x_ref[...], At_ref[...], preferred_element_type=jnp.float32)
    mm2 = jnp.dot(sblk * inv, Bt_ref[...], preferred_element_type=jnp.float32)
    o_ref[...] = jnp.where(cnt > 0.0, mm + b_ref[...] + mm2,
                           0.0).astype(jnp.bfloat16)


def _tc2_body(h_ref, s_ref, c_ref, x_ref, At_ref, Bt_ref, b_ref, o_ref):
    cnt = c_ref[:, 0:1] + c_ref[:, CW:CW + 1]
    sblk = (s_ref[:, :D].astype(jnp.float32)
            + s_ref[:, D:].astype(jnp.float32))
    inv = jnp.where(cnt > 0.0, 1.0 / jnp.maximum(cnt, 1.0), 0.0)
    h32 = h_ref[...].astype(jnp.float32)
    mm = jnp.dot(h32, At_ref[...], preferred_element_type=jnp.float32)
    mm2 = jnp.dot(sblk * inv, Bt_ref[...], preferred_element_type=jnp.float32)
    o_ref[...] = jnp.where(cnt > 0.0, mm + b_ref[...] + mm2, 0.0) + x_ref[...]


_W_SPEC = pl.BlockSpec((D, D), lambda i: (0, 0))
_B_SPEC = pl.BlockSpec((1, D), lambda i: (0, 0))
_ROW_SPEC = pl.BlockSpec((BM, D), lambda i: (i, 0))
_S_SPEC = pl.BlockSpec((BM, NC * D), lambda i: (i, 0))
_C_SPEC = pl.BlockSpec((BM, NC * CW), lambda i: (i, 0))


def _tc1(x, s1, cnt_p, At, Bt, b2d):
    return pl.pallas_call(
        _tc1_body,
        grid=(N_NODES // BM,),
        in_specs=[_ROW_SPEC, _S_SPEC, _C_SPEC, _W_SPEC, _W_SPEC, _B_SPEC],
        out_specs=_ROW_SPEC,
        out_shape=jax.ShapeDtypeStruct((N_NODES, D), jnp.bfloat16),
    )(x, s1, cnt_p, At, Bt, b2d)


def _tc2(h, s2, cnt_p, x, At, Bt, b2d):
    return pl.pallas_call(
        _tc2_body,
        grid=(N_NODES // BM,),
        in_specs=[_ROW_SPEC, _S_SPEC, _C_SPEC, _ROW_SPEC,
                  _W_SPEC, _W_SPEC, _B_SPEC],
        out_specs=_ROW_SPEC,
        out_shape=jax.ShapeDtypeStruct((N_NODES, D), jnp.float32),
    )(h, s2, cnt_p, x, At, Bt, b2d)


def kernel(nodes_feat, edges_index, batch, W_in, b_in, W_out, b_out):
    x = nodes_feat
    A1t = (W_in[:, :D] - W_in[:, D:]).T
    B1t = W_in[:, D:].T
    A2t = (W_out[:, :D] - W_out[:, D:]).T
    B2t = W_out[:, D:].T

    s1, cnt_p = _sc_segsum_cnt(x.astype(jnp.bfloat16), edges_index)
    h = _tc1(x, s1, cnt_p, A1t, B1t, b_in.reshape(1, D))
    (s2,) = _sc_segsum(h, edges_index)
    return _tc2(h, s2, cnt_p, x, A2t, B2t, b_out.reshape(1, D))

# --- scband reference (transcript-rebuilt; emitter-appended) ---
"""Pipeline reference for scband-unet-block-51642686767633 (READ-ONLY COPY).

The authoritative reference and input builder live on the scoring server;
editing this copy changes nothing except your own understanding.
"""

import jax, jax.numpy as jnp
import numpy as np

N_NODES = 10000
N_EDGES = 320000
D_IN = 128
D_SUB = 128


def setup_inputs(seed: int = 0) -> dict:
    key = jax.random.key(seed)
    k1, k2, k3, k4, k5, k6 = jax.random.split(key, 6)
    nodes_feat = jax.random.normal(k1, (N_NODES, D_IN), dtype=jnp.float32)
    edges_index = jax.random.randint(k2, (2, N_EDGES), 0, N_NODES, dtype=jnp.int32)
    batch = jnp.zeros((N_NODES,), dtype=jnp.int32)
    # down_conv nn: Linear(2*D_IN -> D_SUB)
    W_in = jax.random.normal(k3, (D_SUB, 2 * D_IN), dtype=jnp.float32) * (1.0 / np.sqrt(2 * D_IN))
    b_in = jax.random.normal(k4, (D_SUB,), dtype=jnp.float32) * 0.01
    # up_conv nn: Linear(2*D_SUB -> D_IN)
    W_out = jax.random.normal(k5, (D_IN, 2 * D_SUB), dtype=jnp.float32) * (1.0 / np.sqrt(2 * D_SUB))
    b_out = jax.random.normal(k6, (D_IN,), dtype=jnp.float32) * 0.01
    return {"nodes_feat": nodes_feat, "edges_index": edges_index, "batch": batch,
            "W_in": W_in, "b_in": b_in, "W_out": W_out, "b_out": b_out}


def _edge_conv_mean(x, edges_index, W, b, num_nodes):
    # PyG EdgeConv: message = nn(cat([x_i, x_j - x_i])), aggr='mean' over incoming edges at dst i
    src = edges_index[0]
    dst = edges_index[1]
    x_i = jnp.take(x, dst, axis=0)
    x_j = jnp.take(x, src, axis=0)
    msg_in = jnp.concatenate([x_i, x_j - x_i], axis=-1)
    msg = msg_in @ W.T + b
    summed = jax.ops.segment_sum(msg, dst, num_segments=num_nodes)
    cnt = jax.ops.segment_sum(jnp.ones((dst.shape[0],), dtype=x.dtype), dst, num_segments=num_nodes)
    cnt = jnp.maximum(cnt, 1.0)
    return summed / cnt[:, None]


def reference(nodes_feat, edges_index, batch, W_in, b_in, W_out, b_out):
    num_nodes = nodes_feat.shape[0]
    # sub_network is None -> pooling branch is skipped
    out = _edge_conv_mean(nodes_feat, edges_index, W_in, b_in, num_nodes)
    out = _edge_conv_mean(out, edges_index, W_out, b_out, num_nodes)
    out = out + nodes_feat
    return out

if __name__ == "__main__":
    import jax
    _d = setup_inputs()
    print(jax.jit(kernel)(*tuple(_d.values())))

</pallas_src>

<mosaic_0001>
#map = affine_map<(d0, d1) -> (0, 0)>
module attributes {stable_mosaic.version = 14 : i64} {
  func.func @sc_segsum(%arg0: i32, %arg1: i32, %arg2: memref<10000x128xbf16, #tpu.memory_space<hbm>>, %arg3: memref<2x320000xi32, #tpu.memory_space<hbm>>, %arg4: memref<10240x256xbf16, #tpu.memory_space<hbm>>, %arg5: memref<10000xi32, #tpu.memory_space<vmem>>, %arg6: memref<10000xi32, #tpu.memory_space<vmem>>, %arg7: memref<64x128xbf16, #tpu.memory_space<vmem>>, %arg8: memref<80x128xbf16, #tpu.memory_space<vmem>>, %arg9: memref<80x128xbf16, #tpu.memory_space<vmem>>, %arg10: memref<80x128xbf16, #tpu.memory_space<vmem>>, %arg11: memref<80x128xbf16, #tpu.memory_space<vmem>>, %arg12: memref<80x128xbf16, #tpu.memory_space<vmem>>, %arg13: memref<10240x128xbf16, #tpu.memory_space<vmem_shared>>, %arg14: memref<!tpu.dma_semaphore, #tpu.memory_space<semaphore_mem>>, %arg15: memref<!tpu.dma_semaphore, #tpu.memory_space<semaphore_mem>>, %arg16: memref<!tpu.dma_semaphore, #tpu.memory_space<semaphore_mem>>, %arg17: memref<!tpu.dma_semaphore, #tpu.memory_space<semaphore_mem>>, %arg18: memref<!tpu.dma_semaphore, #tpu.memory_space<semaphore_mem>>, %arg19: memref<!tpu.dma_semaphore, #tpu.memory_space<semaphore_mem>>, %arg20: memref<!tpu.dma_semaphore, #tpu.memory_space<semaphore_mem>>, %arg21: memref<!tpu.dma_semaphore, #tpu.memory_space<semaphore_mem>>, %arg22: memref<!tpu.dma_semaphore, #tpu.memory_space<semaphore_mem>>, %arg23: memref<!tpu.dma_semaphore, #tpu.memory_space<semaphore_mem>>, %arg24: memref<!tpu.dma_semaphore, #tpu.memory_space<semaphore_mem>>) attributes {dimension_semantics = [#tpu.dimension_semantics<core_parallel>, #tpu.dimension_semantics<subcore_parallel>], iteration_bounds = array<i64: 2, 16>, scalar_prefetch = 0 : i64, scratch_operands = 20 : i64, tpu.core_type = #tpu.core_type<sc_vector_subcore>, window_params = [{transform_indices = #map}, {transform_indices = #map}, {transform_indices = #map}]} {
    %mul3A = arith.constant 2 : i32
    %mul3A_0 = arith.muli %arg1, %mul3A : i32
    %add3A = arith.addi %mul3A_0, %arg0 : i32
    %mul3A_1 = arith.constant 640 : i32
    %mul3A_2 = arith.muli %arg1, %mul3A_1 : i32
    %mul3A_3 = arith.constant 10000 : i32
    %mul3A_4 = arith.muli %add3A, %mul3A_3 : i32
    %run_scoped3A = arith.constant 0 : i32
    "tpu.region"() ({
      %run_scoped3A_51 = tpu.sem_alloc : memref<!tpu.dma_semaphore, #tpu.memory_space<semaphore_mem>>
      %dma_start3A_52 = tpu.memref_slice %arg3[%run_scoped3A, %mul3A_4] : memref<2x320000xi32, #tpu.memory_space<hbm>> -> memref<1x10000xi32, #tpu.memory_space<hbm>>
      %dma_start3A_53 = tpu.memref_squeeze %dma_start3A_52 : memref<1x10000xi32, #tpu.memory_space<hbm>> -> memref<10000xi32, #tpu.memory_space<hbm>>
      %dma_start3A_54 = tpu.memref_slice %arg3[%run_scoped3A, %mul3A_4] : memref<2x320000xi32, #tpu.memory_space<hbm>> -> memref<1x10000xi32, #tpu.memory_space<hbm>>
      %dma_start3A_55 = tpu.memref_squeeze %dma_start3A_54 : memref<1x10000xi32, #tpu.memory_space<hbm>> -> memref<10000xi32, #tpu.memory_space<hbm>>
      tpu.enqueue_dma source(%dma_start3A_55 : memref<10000xi32, #tpu.memory_space<hbm>>) target(%arg5 : memref<10000xi32, #tpu.memory_space<vmem>>) target_semaphore(%run_scoped3A_51 : memref<!tpu.dma_semaphore, #tpu.memory_space<semaphore_mem>>)
      %dma_wait3A_56 = tpu.memref_slice %arg3[%run_scoped3A, %mul3A_4] : memref<2x320000xi32, #tpu.memory_space<hbm>> -> memref<1x10000xi32, #tpu.memory_space<hbm>>
      %dma_wait3A_57 = tpu.memref_squeeze %dma_wait3A_56 : memref<1x10000xi32, #tpu.memory_space<hbm>> -> memref<10000xi32, #tpu.memory_space<hbm>>
      %dma_wait3A_58 = tpu.memref_slice %arg3[%run_scoped3A, %mul3A_4] : memref<2x320000xi32, #tpu.memory_space<hbm>> -> memref<1x10000xi32, #tpu.memory_space<hbm>>
      %dma_wait3A_59 = tpu.memref_squeeze %dma_wait3A_58 : memref<1x10000xi32, #tpu.memory_space<hbm>> -> memref<10000xi32, #tpu.memory_space<hbm>>
      tpu.wait_dma2 semaphore(%run_scoped3A_51 : memref<!tpu.dma_semaphore, #tpu.memory_space<semaphore_mem>>) src(%dma_wait3A_59 : memref<10000xi32, #tpu.memory_space<hbm>>) dst(%arg5 : memref<10000xi32, #tpu.memory_space<vmem>>)
      tpu.yield
    }) : () -> ()
    %mul3A_5 = arith.constant 10000 : i32
    %mul3A_6 = arith.muli %add3A, %mul3A_5 : i32
    %run_scoped3A_7 = arith.constant 1 : i32
    "tpu.region"() ({
      %run_scoped3A_51 = tpu.sem_alloc : memref<!tpu.dma_semaphore, #tpu.memory_space<semaphore_mem>>
      %dma_start3A_52 = tpu.memref_slice %arg3[%run_scoped3A_7, %mul3A_6] : memref<2x320000xi32, #tpu.memory_space<hbm>> -> memref<1x10000xi32, #tpu.memory_space<hbm>>
      %dma_start3A_53 = tpu.memref_squeeze %dma_start3A_52 : memref<1x10000xi32, #tpu.memory_space<hbm>> -> memref<10000xi32, #tpu.memory_space<hbm>>
      %dma_start3A_54 = tpu.memref_slice %arg3[%run_scoped3A_7, %mul3A_6] : memref<2x320000xi32, #tpu.memory_space<hbm>> -> memref<1x10000xi32, #tpu.memory_space<hbm>>
      %dma_start3A_55 = tpu.memref_squeeze %dma_start3A_54 : memref<1x10000xi32, #tpu.memory_space<hbm>> -> memref<10000xi32, #tpu.memory_space<hbm>>
      tpu.enqueue_dma source(%dma_start3A_55 : memref<10000xi32, #tpu.memory_space<hbm>>) target(%arg6 : memref<10000xi32, #tpu.memory_space<vmem>>) target_semaphore(%run_scoped3A_51 : memref<!tpu.dma_semaphore, #tpu.memory_space<semaphore_mem>>)
      %dma_wait3A_56 = tpu.memref_slice %arg3[%run_scoped3A_7, %mul3A_6] : memref<2x320000xi32, #tpu.memory_space<hbm>> -> memref<1x10000xi32, #tpu.memory_space<hbm>>
      %dma_wait3A_57 = tpu.memref_squeeze %dma_wait3A_56 : memref<1x10000xi32, #tpu.memory_space<hbm>> -> memref<10000xi32, #tpu.memory_space<hbm>>
      %dma_wait3A_58 = tpu.memref_slice %arg3[%run_scoped3A_7, %mul3A_6] : memref<2x320000xi32, #tpu.memory_space<hbm>> -> memref<1x10000xi32, #tpu.memory_space<hbm>>
      %dma_wait3A_59 = tpu.memref_squeeze %dma_wait3A_58 : memref<1x10000xi32, #tpu.memory_space<hbm>> -> memref<10000xi32, #tpu.memory_space<hbm>>
      tpu.wait_dma2 semaphore(%run_scoped3A_51 : memref<!tpu.dma_semaphore, #tpu.memory_space<semaphore_mem>>) src(%dma_wait3A_59 : memref<10000xi32, #tpu.memory_space<hbm>>) dst(%arg6 : memref<10000xi32, #tpu.memory_space<vmem>>)
      tpu.yield
    }) : () -> ()
    %scan3A = arith.constant 0 : i32
    %scan3A_8 = arith.constant 0 : i32
    %scan3A_9 = arith.constant 80 : i32
    %scan3A_10 = arith.addi %scan3A_8, %scan3A_9 : i32
    %scan3A_11 = arith.constant 1 : i32
    scf.for %scan3A_51 = %scan3A_8 to %scan3A_10 step %scan3A_11  : i32 {
      %broadcast_in_dim3A = arith.constant 0.000000e+00 : bf16
      %broadcast_in_dim3A_52 = vector.broadcast %broadcast_in_dim3A : bf16 to vector<32xbf16>
      %swap3A = arith.index_cast %scan3A_51 : i32 to index
      %swap3A_53 = arith.constant 0 : index
      %swap3A_54 = tpu.vector_load %arg7[%swap3A, %swap3A_53] {strides = array<i32>} : memref<64x128xbf16, #tpu.memory_space<vmem>>, vector<1x32xbf16>,
      %swap3A_55 = vector.shape_cast %swap3A_54 : vector<1x32xbf16> to vector<32xbf16>
      %swap3A_56 = vector.shape_cast %broadcast_in_dim3A_52 : vector<32xbf16> to vector<1x32xbf16>
      tpu.vector_store %arg7[%swap3A, %swap3A_53], %swap3A_56 {strides = array<i32>} : memref<64x128xbf16, #tpu.memory_space<vmem>>, vector<1x32xbf16>,
      %broadcast_in_dim3A_57 = arith.constant 0.000000e+00 : bf16
      %broadcast_in_dim3A_58 = vector.broadcast %broadcast_in_dim3A_57 : bf16 to vector<32xbf16>
      %swap3A_59 = arith.index_cast %scan3A_51 : i32 to index
      %swap3A_60 = arith.constant 32 : index
      %swap3A_61 = tpu.vector_load %arg7[%swap3A_59, %swap3A_60] {strides = array<i32>} : memref<64x128xbf16, #tpu.memory_space<vmem>>, vector<1x32xbf16>,
      %swap3A_62 = vector.shape_cast %swap3A_61 : vector<1x32xbf16> to vector<32xbf16>
      %swap3A_63 = vector.shape_cast %broadcast_in_dim3A_58 : vector<32xbf16> to vector<1x32xbf16>
      tpu.vector_store %arg7[%swap3A_59, %swap3A_60], %swap3A_63 {strides = array<i32>} : memref<64x128xbf16, #tpu.memory_space<vmem>>, vector<1x32xbf16>,
      %broadcast_in_dim3A_64 = arith.constant 0.000000e+00 : bf16
      %broadcast_in_dim3A_65 = vector.broadcast %broadcast_in_dim3A_64 : bf16 to vector<32xbf16>
      %swap3A_66 = arith.index_cast %scan3A_51 : i32 to index
      %swap3A_67 = arith.constant 64 : index
      %swap3A_68 = tpu.vector_load %arg7[%swap3A_66, %swap3A_67] {strides = array<i32>} : memref<64x128xbf16, #tpu.memory_space<vmem>>, vector<1x32xbf16>,
      %swap3A_69 = vector.shape_cast %swap3A_68 : vector<1x32xbf16> to vector<32xbf16>
      %swap3A_70 = vector.shape_cast %broadcast_in_dim3A_65 : vector<32xbf16> to vector<1x32xbf16>
      tpu.vector_store %arg7[%swap3A_66, %swap3A_67], %swap3A_70 {strides = array<i32>} : memref<64x128xbf16, #tpu.memory_space<vmem>>, vector<1x32xbf16>,
      %broadcast_in_dim3A_71 = arith.constant 0.000000e+00 : bf16
      %broadcast_in_dim3A_72 = vector.broadcast %broadcast_in_dim3A_71 : bf16 to vector<32xbf16>
      %swap3A_73 = arith.index_cast %scan3A_51 : i32 to index
      %swap3A_74 = arith.constant 96 : index
      %swap3A_75 = tpu.vector_load %arg7[%swap3A_73, %swap3A_74] {strides = array<i32>} : memref<64x128xbf16, #tpu.memory_space<vmem>>, vector<1x32xbf16>,
      %swap3A_76 = vector.shape_cast %swap3A_75 : vector<1x32xbf16> to vector<32xbf16>
      %swap3A_77 = vector.shape_cast %broadcast_in_dim3A_72 : vector<32xbf16> to vector<1x32xbf16>
      tpu.vector_store %arg7[%swap3A_73, %swap3A_74], %swap3A_77 {strides = array<i32>} : memref<64x128xbf16, #tpu.memory_space<vmem>>, vector<1x32xbf16>,
    }
    %scan3A_12 = arith.constant 80 : i32
    %scan3A_13 = arith.constant 0 : i32
    %scan3A_14 = arith.constant 0 : i32
    %scan3A_15 = arith.constant 10 : i32
    %scan3A_16 = arith.addi %scan3A_14, %scan3A_15 : i32
    %scan3A_17 = arith.constant 1 : i32
    scf.for %scan3A_51 = %scan3A_14 to %scan3A_16 step %scan3A_17  : i32 {
      %mul3A_52 = arith.constant 64 : i32
      %mul3A_53 = arith.muli %scan3A_51, %mul3A_52 : i32
      %add3A_54 = arith.addi %mul3A_2, %mul3A_53 : i32
      "tpu.region"() ({
        %run_scoped3A_55 = tpu.sem_alloc : memref<!tpu.dma_semaphore, #tpu.memory_space<semaphore_mem>>
        %dma_start3A_56 = arith.constant 0 : i32
        %dma_start3A_57 = tpu.memref_slice %arg13[%add3A_54, %dma_start3A_56] : memref<10240x128xbf16, #tpu.memory_space<vmem_shared>> -> memref<64x128xbf16, #tpu.memory_space<vmem_shared>>
        %dma_start3A_58 = arith.constant 0 : i32
        %dma_start3A_59 = tpu.memref_slice %arg13[%add3A_54, %dma_start3A_58] : memref<10240x128xbf16, #tpu.memory_space<vmem_shared>> -> memref<64x128xbf16, #tpu.memory_space<vmem_shared>>
        tpu.enqueue_dma source(%arg7 : memref<64x128xbf16, #tpu.memory_space<vmem>>) target(%dma_start3A_59 : memref<64x128xbf16, #tpu.memory_space<vmem_shared>>) target_semaphore(%run_scoped3A_55 : memref<!tpu.dma_semaphore, #tpu.memory_space<semaphore_mem>>)
        %dma_wait3A_60 = arith.constant 0 : i32
        %dma_wait3A_61 = tpu.memref_slice %arg13[%add3A_54, %dma_wait3A_60] : memref<10240x128xbf16, #tpu.memory_space<vmem_shared>> -> memref<64x128xbf16, #tpu.memory_space<vmem_shared>>
        %dma_wait3A_62 = arith.constant 0 : i32
        %dma_wait3A_63 = tpu.memref_slice %arg13[%add3A_54, %dma_wait3A_62] : memref<10240x128xbf16, #tpu.memory_space<vmem_shared>> -> memref<64x128xbf16, #tpu.memory_space<vmem_shared>>
        tpu.wait_dma2 semaphore(%run_scoped3A_55 : memref<!tpu.dma_semaphore, #tpu.memory_space<semaphore_mem>>) src(%arg7 : memref<64x128xbf16, #tpu.memory_space<vmem>>) dst(%dma_wait3A_63 : memref<64x128xbf16, #tpu.memory_space<vmem_shared>>)
        tpu.yield
      }) : () -> ()
    }
    %scan3A_18 = arith.constant 10 : i32
    %barrier3A = arith.constant 0 : index
    tpu.barrier barrier_id(%barrier3A)
    %dma_start3A = arith.constant 0 : i32
    %dma_start3A_19 = tpu.memref_slice %arg5[%dma_start3A] : memref<10000xi32, #tpu.memory_space<vmem>> -> memref<80xi32, #tpu.memory_space<vmem>>
    %dma_start3A_20 = arith.constant 0 : i32
    %dma_start3A_21 = arith.constant 0 : i32
    %dma_start3A_22 = tpu.memref_slice %arg2[%dma_start3A_20, %dma_start3A_21] : memref<10000x128xbf16, #tpu.memory_space<hbm>> -> memref<10000x128xbf16, #tpu.memory_space<hbm>>
    tpu.enqueue_indirect_dma source(%dma_start3A_22 : memref<10000x128xbf16, #tpu.memory_space<hbm>>) target(%arg8 : memref<80x128xbf16, #tpu.memory_space<vmem>>) offsets(%dma_start3A_19 : memref<80xi32, #tpu.memory_space<vmem>>) semaphore(%arg14 : memref<!tpu.dma_semaphore, #tpu.memory_space<semaphore_mem>>)
    %dma_start3A_23 = arith.constant 80 : i32
    %dma_start3A_24 = tpu.memref_slice %arg5[%dma_start3A_23] : memref<10000xi32, #tpu.memory_space<vmem>> -> memref<80xi32, #tpu.memory_space<vmem>>
    %dma_start3A_25 = arith.constant 0 : i32
    %dma_start3A_26 = arith.constant 0 : i32
    %dma_start3A_27 = tpu.memref_slice %arg2[%dma_start3A_25, %dma_start3A_26] : memref<10000x128xbf16, #tpu.memory_space<hbm>> -> memref<10000x128xbf16, #tpu.memory_space<hbm>>
    tpu.enqueue_indirect_dma source(%dma_start3A_27 : memref<10000x128xbf16, #tpu.memory_space<hbm>>) target(%arg9 : memref<80x128xbf16, #tpu.memory_space<vmem>>) offsets(%dma_start3A_24 : memref<80xi32, #tpu.memory_space<vmem>>) semaphore(%arg15 : memref<!tpu.dma_semaphore, #tpu.memory_space<semaphore_mem>>)
    %dma_start3A_28 = arith.constant 160 : i32
    %dma_start3A_29 = tpu.memref_slice %arg5[%dma_start3A_28] : memref<10000xi32, #tpu.memory_space<vmem>> -> memref<80xi32, #tpu.memory_space<vmem>>
    %dma_start3A_30 = arith.constant 0 : i32
    %dma_start3A_31 = arith.constant 0 : i32
    %dma_start3A_32 = tpu.memref_slice %arg2[%dma_start3A_30, %dma_start3A_31] : memref<10000x128xbf16, #tpu.memory_space<hbm>> -> memref<10000x128xbf16, #tpu.memory_space<hbm>>
    tpu.enqueue_indirect_dma source(%dma_start3A_32 : memref<10000x128xbf16, #tpu.memory_space<hbm>>) target(%arg10 : memref<80x128xbf16, #tpu.memory_space<vmem>>) offsets(%dma_start3A_29 : memref<80xi32, #tpu.memory_space<vmem>>) semaphore(%arg16 : memref<!tpu.dma_semaphore, #tpu.memory_space<semaphore_mem>>)
    %dma_start3A_33 = arith.constant 240 : i32
    %dma_start3A_34 = tpu.memref_slice %arg5[%dma_start3A_33] : memref<10000xi32, #tpu.memory_space<vmem>> -> memref<80xi32, #tpu.memory_space<vmem>>
    %dma_start3A_35 = arith.constant 0 : i32
    %dma_start3A_36 = arith.constant 0 : i32
    %dma_start3A_37 = tpu.memref_slice %arg2[%dma_start3A_35, %dma_start3A_36] : memref<10000x128xbf16, #tpu.memory_space<hbm>> -> memref<10000x128xbf16, #tpu.memory_space<hbm>>
    tpu.enqueue_indirect_dma source(%dma_start3A_37 : memref<10000x128xbf16, #tpu.memory_space<hbm>>) target(%arg11 : memref<80x128xbf16, #tpu.memory_space<vmem>>) offsets(%dma_start3A_34 : memref<80xi32, #tpu.memory_space<vmem>>) semaphore(%arg17 : memref<!tpu.dma_semaphore, #tpu.memory_space<semaphore_mem>>)
    %scan3A_38 = arith.constant 0 : i32
    %scan3A_39 = arith.constant 0 : i32
    %scan3A_40 = arith.constant 25 : i32
    %scan3A_41 = arith.addi %scan3A_39, %scan3A_40 : i32
    %scan3A_42 = arith.constant 1 : i32
    scf.for %scan3A_51 = %scan3A_39 to %scan3A_41 step %scan3A_42  : i32 {
      %mul3A_52 = arith.constant 5 : i32
      %mul3A_53 = arith.muli %scan3A_51, %mul3A_52 : i32
      %add3A_54 = arith.constant 0 : i32
      %add3A_55 = arith.addi %mul3A_53, %add3A_54 : i32
      %add3A_56 = arith.constant 5 : i32
      %add3A_57 = arith.addi %add3A_55, %add3A_56 : i32
      %sub3A = arith.constant 1 : i32
      %sub3A_58 = arith.subi %add3A_57, %sub3A : i32
      %gt3A = arith.constant 0 : i32
      %gt3A_59 = arith.cmpi sgt, %add3A_55, %gt3A : i32
      %convert_element_type3A = arith.extui %gt3A_59 : i1 to i32
      %cond3A = arith.constant 0 : i32
      %cond3A_60 = arith.cmpi ne, %convert_element_type3A, %cond3A : i32
      scf.if %cond3A_60 {
        %sub3A_197 = arith.constant 1 : i32
        %sub3A_198 = arith.subi %add3A_55, %sub3A_197 : i32
        %mul3A_199 = arith.constant 80 : i32
        %mul3A_200 = arith.muli %sub3A_198, %mul3A_199 : i32
        %dma_wait3A_201 = tpu.memref_slice %arg6[%mul3A_200] : memref<10000xi32, #tpu.memory_space<vmem>> -> memref<80xi32, #tpu.memory_space<vmem>>
        %dma_wait3A_202 = arith.constant 0 : i32
        %dma_wait3A_203 = arith.constant 0 : i32
        %dma_wait3A_204 = tpu.memref_slice %arg13[%dma_wait3A_202, %dma_wait3A_203] : memref<10240x128xbf16, #tpu.memory_space<vmem_shared>> -> memref<10240x128xbf16, #tpu.memory_space<vmem_shared>>
        tpu.wait_indirect_dma semaphore(%arg23 : memref<!tpu.dma_semaphore, #tpu.memory_space<semaphore_mem>>) src(%arg12 : memref<80x128xbf16, #tpu.memory_space<vmem>>) dst(%dma_wait3A_204 : memref<10240x128xbf16, #tpu.memory_space<vmem_shared>>)
      } else {
      }
      %lt3A = arith.constant 125 : i32
      %lt3A_61 = arith.cmpi slt, %sub3A_58, %lt3A : i32
      %convert_element_type3A_62 = arith.extui %lt3A_61 : i1 to i32
      %cond3A_63 = arith.constant 0 : i32
      %cond3A_64 = arith.cmpi ne, %convert_element_type3A_62, %cond3A_63 : i32
      scf.if %cond3A_64 {
        %mul3A_197 = arith.constant 80 : i32
        %mul3A_198 = arith.muli %sub3A_58, %mul3A_197 : i32
        %dma_start3A_199 = tpu.memref_slice %arg5[%mul3A_198] : memref<10000xi32, #tpu.memory_space<vmem>> -> memref<80xi32, #tpu.memory_space<vmem>>
        %dma_start3A_200 = arith.constant 0 : i32
        %dma_start3A_201 = arith.constant 0 : i32
        %dma_start3A_202 = tpu.memref_slice %arg2[%dma_start3A_200, %dma_start3A_201] : memref<10000x128xbf16, #tpu.memory_space<hbm>> -> memref<10000x128xbf16, #tpu.memory_space<hbm>>
        tpu.enqueue_indirect_dma source(%dma_start3A_202 : memref<10000x128xbf16, #tpu.memory_space<hbm>>) target(%arg12 : memref<80x128xbf16, #tpu.memory_space<vmem>>) offsets(%dma_start3A_199 : memref<80xi32, #tpu.memory_space<vmem>>) semaphore(%arg18 : memref<!tpu.dma_semaphore, #tpu.memory_space<semaphore_mem>>)
      } else {
      }
      %mul3A_65 = arith.constant 80 : i32
      %mul3A_66 = arith.muli %add3A_55, %mul3A_65 : i32
      %dma_wait3A_67 = tpu.memref_slice %arg5[%mul3A_66] : memref<10000xi32, #tpu.memory_space<vmem>> -> memref<80xi32, #tpu.memory_space<vmem>>
      %dma_wait3A_68 = arith.constant 0 : i32
      %dma_wait3A_69 = arith.constant 0 : i32
      %dma_wait3A_70 = tpu.memref_slice %arg2[%dma_wait3A_68, %dma_wait3A_69] : memref<10000x128xbf16, #tpu.memory_space<hbm>> -> memref<10000x128xbf16, #tpu.memory_space<hbm>>
      tpu.wait_indirect_dma semaphore(%arg14 : memref<!tpu.dma_semaphore, #tpu.memory_space<semaphore_mem>>) src(%dma_wait3A_70 : memref<10000x128xbf16, #tpu.memory_space<hbm>>) dst(%arg8 : memref<80x128xbf16, #tpu.memory_space<vmem>>)
      %mul3A_71 = arith.constant 80 : i32
      %mul3A_72 = arith.muli %add3A_55, %mul3A_71 : i32
      %dma_start3A_73 = tpu.memref_slice %arg6[%mul3A_72] : memref<10000xi32, #tpu.memory_space<vmem>> -> memref<80xi32, #tpu.memory_space<vmem>>
      %dma_start3A_74 = arith.constant 0 : i32
      %dma_start3A_75 = arith.constant 0 : i32
      %dma_start3A_76 = tpu.memref_slice %arg13[%dma_start3A_74, %dma_start3A_75] : memref<10240x128xbf16, #tpu.memory_space<vmem_shared>> -> memref<10240x128xbf16, #tpu.memory_space<vmem_shared>>
      tpu.enqueue_indirect_dma source(%arg8 : memref<80x128xbf16, #tpu.memory_space<vmem>>) target(%dma_start3A_76 : memref<10240x128xbf16, #tpu.memory_space<vmem_shared>>) offsets(%dma_start3A_73 : memref<80xi32, #tpu.memory_space<vmem>>) semaphore(%arg19 : memref<!tpu.dma_semaphore, #tpu.memory_space<semaphore_mem>>) {add = true}
      %mul3A_77 = arith.constant 5 : i32
      %mul3A_78 = arith.muli %scan3A_51, %mul3A_77 : i32
      %add3A_79 = arith.constant 1 : i32
      %add3A_80 = arith.addi %mul3A_78, %add3A_79 : i32
      %add3A_81 = arith.constant 5 : i32
      %add3A_82 = arith.addi %add3A_80, %add3A_81 : i32
      %sub3A_83 = arith.constant 1 : i32
      %sub3A_84 = arith.subi %add3A_82, %sub3A_83 : i32
      %gt3A_85 = arith.constant 0 : i32
      %gt3A_86 = arith.cmpi sgt, %add3A_80, %gt3A_85 : i32
      %convert_element_type3A_87 = arith.extui %gt3A_86 : i1 to i32
      %cond3A_88 = arith.constant 0 : i32
      %cond3A_89 = arith.cmpi ne, %convert_element_type3A_87, %cond3A_88 : i32
      scf.if %cond3A_89 {
        %sub3A_197 = arith.constant 1 : i32
        %sub3A_198 = arith.subi %add3A_80, %sub3A_197 : i32
        %mul3A_199 = arith.constant 80 : i32
        %mul3A_200 = arith.muli %sub3A_198, %mul3A_199 : i32
        %dma_wait3A_201 = tpu.memref_slice %arg6[%mul3A_200] : memref<10000xi32, #tpu.memory_space<vmem>> -> memref<80xi32, #tpu.memory_space<vmem>>
        %dma_wait3A_202 = arith.constant 0 : i32
        %dma_wait3A_203 = arith.constant 0 : i32
        %dma_wait3A_204 = tpu.memref_slice %arg13[%dma_wait3A_202, %dma_wait3A_203] : memref<10240x128xbf16, #tpu.memory_space<vmem_shared>> -> memref<10240x128xbf16, #tpu.memory_space<vmem_shared>>
        tpu.wait_indirect_dma semaphore(%arg19 : memref<!tpu.dma_semaphore, #tpu.memory_space<semaphore_mem>>) src(%arg8 : memref<80x128xbf16, #tpu.memory_space<vmem>>) dst(%dma_wait3A_204 : memref<10240x128xbf16, #tpu.memory_space<vmem_shared>>)
      } else {
      }
      %lt3A_90 = arith.constant 125 : i32
      %lt3A_91 = arith.cmpi slt, %sub3A_84, %lt3A_90 : i32
      %convert_element_type3A_92 = arith.extui %lt3A_91 : i1 to i32
      %cond3A_93 = arith.constant 0 : i32
      %cond3A_94 = arith.cmpi ne, %convert_element_type3A_92, %cond3A_93 : i32
      scf.if %cond3A_94 {
        %mul3A_197 = arith.constant 80 : i32
        %mul3A_198 = arith.muli %sub3A_84, %mul3A_197 : i32
        %dma_start3A_199 = tpu.memref_slice %arg5[%mul3A_198] : memref<10000xi32, #tpu.memory_space<vmem>> -> memref<80xi32, #tpu.memory_space<vmem>>
        %dma_start3A_200 = arith.constant 0 : i32
        %dma_start3A_201 = arith.constant 0 : i32
        %dma_start3A_202 = tpu.memref_slice %arg2[%dma_start3A_200, %dma_start3A_201] : memref<10000x128xbf16, #tpu.memory_space<hbm>> -> memref<10000x128xbf16, #tpu.memory_space<hbm>>
        tpu.enqueue_indirect_dma source(%dma_start3A_202 : memref<10000x128xbf16, #tpu.memory_space<hbm>>) target(%arg8 : memref<80x128xbf16, #tpu.memory_space<vmem>>) offsets(%dma_start3A_199 : memref<80xi32, #tpu.memory_space<vmem>>) semaphore(%arg14 : memref<!tpu.dma_semaphore, #tpu.memory_space<semaphore_mem>>)
      } else {
      }
      %mul3A_95 = arith.constant 80 : i32
      %mul3A_96 = arith.muli %add3A_80, %mul3A_95 : i32
      %dma_wait3A_97 = tpu.memref_slice %arg5[%mul3A_96] : memref<10000xi32, #tpu.memory_space<vmem>> -> memref<80xi32, #tpu.memory_space<vmem>>
      %dma_wait3A_98 = arith.constant 0 : i32
      %dma_wait3A_99 = arith.constant 0 : i32
      %dma_wait3A_100 = tpu.memref_slice %arg2[%dma_wait3A_98, %dma_wait3A_99] : memref<10000x128xbf16, #tpu.memory_space<hbm>> -> memref<10000x128xbf16, #tpu.memory_space<hbm>>
      tpu.wait_indirect_dma semaphore(%arg15 : memref<!tpu.dma_semaphore, #tpu.memory_space<semaphore_mem>>) src(%dma_wait3A_100 : memref<10000x128xbf16, #tpu.memory_space<hbm>>) dst(%arg9 : memref<80x128xbf16, #tpu.memory_space<vmem>>)
      %mul3A_101 = arith.constant 80 : i32
      %mul3A_102 = arith.muli %add3A_80, %mul3A_101 : i32
      %dma_start3A_103 = tpu.memref_slice %arg6[%mul3A_102] : memref<10000xi32, #tpu.memory_space<vmem>> -> memref<80xi32, #tpu.memory_space<vmem>>
      %dma_start3A_104 = arith.constant 0 : i32
      %dma_start3A_105 = arith.constant 0 : i32
      %dma_start3A_106 = tpu.memref_slice %arg13[%dma_start3A_104, %dma_start3A_105] : memref<10240x128xbf16, #tpu.memory_space<vmem_shared>> -> memref<10240x128xbf16, #tpu.memory_space<vmem_shared>>
      tpu.enqueue_indirect_dma source(%arg9 : memref<80x128xbf16, #tpu.memory_space<vmem>>) target(%dma_start3A_106 : memref<10240x128xbf16, #tpu.memory_space<vmem_shared>>) offsets(%dma_start3A_103 : memref<80xi32, #tpu.memory_space<vmem>>) semaphore(%arg20 : memref<!tpu.dma_semaphore, #tpu.memory_space<semaphore_mem>>) {add = true}
      %mul3A_107 = arith.constant 5 : i32
      %mul3A_108 = arith.muli %scan3A_51, %mul3A_107 : i32
      %add3A_109 = arith.constant 2 : i32
      %add3A_110 = arith.addi %mul3A_108, %add3A_109 : i32
      %add3A_111 = arith.constant 5 : i32
      %add3A_112 = arith.addi %add3A_110, %add3A_111 : i32
      %sub3A_113 = arith.constant 1 : i32
      %sub3A_114 = arith.subi %add3A_112, %sub3A_113 : i32
      %gt3A_115 = arith.constant 0 : i32
      %gt3A_116 = arith.cmpi sgt, %add3A_110, %gt3A_115 : i32
      %convert_element_type3A_117 = arith.extui %gt3A_116 : i1 to i32
      %cond3A_118 = arith.constant 0 : i32
      %cond3A_119 = arith.cmpi ne, %convert_element_type3A_117, %cond3A_118 : i32
      scf.if %cond3A_119 {
        %sub3A_197 = arith.constant 1 : i32
        %sub3A_198 = arith.subi %add3A_110, %sub3A_197 : i32
        %mul3A_199 = arith.constant 80 : i32
        %mul3A_200 = arith.muli %sub3A_198, %mul3A_199 : i32
        %dma_wait3A_201 = tpu.memref_slice %arg6[%mul3A_200] : memref<10000xi32, #tpu.memory_space<vmem>> -> memref<80xi32, #tpu.memory_space<vmem>>
        %dma_wait3A_202 = arith.constant 0 : i32
        %dma_wait3A_203 = arith.constant 0 : i32
        %dma_wait3A_204 = tpu.memref_slice %arg13[%dma_wait3A_202, %dma_wait3A_203] : memref<10240x128xbf16, #tpu.memory_space<vmem_shared>> -> memref<10240x128xbf16, #tpu.memory_space<vmem_shared>>
        tpu.wait_indirect_dma semaphore(%arg20 : memref<!tpu.dma_semaphore, #tpu.memory_space<semaphore_mem>>) src(%arg9 : memref<80x128xbf16, #tpu.memory_space<vmem>>) dst(%dma_wait3A_204 : memref<10240x128xbf16, #tpu.memory_space<vmem_shared>>)
      } else {
      }
      %lt3A_120 = arith.constant 125 : i32
      %lt3A_121 = arith.cmpi slt, %sub3A_114, %lt3A_120 : i32
      %convert_element_type3A_122 = arith.extui %lt3A_121 : i1 to i32
      %cond3A_123 = arith.constant 0 : i32
      %cond3A_124 = arith.cmpi ne, %convert_element_type3A_122, %cond3A_123 : i32
      scf.if %cond3A_124 {
        %mul3A_197 = arith.constant 80 : i32
        %mul3A_198 = arith.muli %sub3A_114, %mul3A_197 : i32
        %dma_start3A_199 = tpu.memref_slice %arg5[%mul3A_198] : memref<10000xi32, #tpu.memory_space<vmem>> -> memref<80xi32, #tpu.memory_space<vmem>>
        %dma_start3A_200 = arith.constant 0 : i32
        %dma_start3A_201 = arith.constant 0 : i32
        %dma_start3A_202 = tpu.memref_slice %arg2[%dma_start3A_200, %dma_start3A_201] : memref<10000x128xbf16, #tpu.memory_space<hbm>> -> memref<10000x128xbf16, #tpu.memory_space<hbm>>
        tpu.enqueue_indirect_dma source(%dma_start3A_202 : memref<10000x128xbf16, #tpu.memory_space<hbm>>) target(%arg9 : memref<80x128xbf16, #tpu.memory_space<vmem>>) offsets(%dma_start3A_199 : memref<80xi32, #tpu.memory_space<vmem>>) semaphore(%arg15 : memref<!tpu.dma_semaphore, #tpu.memory_space<semaphore_mem>>)
      } else {
      }
      %mul3A_125 = arith.constant 80 : i32
      %mul3A_126 = arith.muli %add3A_110, %mul3A_125 : i32
      %dma_wait3A_127 = tpu.memref_slice %arg5[%mul3A_126] : memref<10000xi32, #tpu.memory_space<vmem>> -> memref<80xi32, #tpu.memory_space<vmem>>
      %dma_wait3A_128 = arith.constant 0 : i32
      %dma_wait3A_129 = arith.constant 0 : i32
      %dma_wait3A_130 = tpu.memref_slice %arg2[%dma_wait3A_128, %dma_wait3A_129] : memref<10000x128xbf16, #tpu.memory_space<hbm>> -> memref<10000x128xbf16, #tpu.memory_space<hbm>>
      tpu.wait_indirect_dma semaphore(%arg16 : memref<!tpu.dma_semaphore, #tpu.memory_space<semaphore_mem>>) src(%dma_wait3A_130 : memref<10000x128xbf16, #tpu.memory_space<hbm>>) dst(%arg10 : memref<80x128xbf16, #tpu.memory_space<vmem>>)
      %mul3A_131 = arith.constant 80 : i32
      %mul3A_132 = arith.muli %add3A_110, %mul3A_131 : i32
      %dma_start3A_133 = tpu.memref_slice %arg6[%mul3A_132] : memref<10000xi32, #tpu.memory_space<vmem>> -> memref<80xi32, #tpu.memory_space<vmem>>
      %dma_start3A_134 = arith.constant 0 : i32
      %dma_start3A_135 = arith.constant 0 : i32
      %dma_start3A_136 = tpu.memref_slice %arg13[%dma_start3A_134, %dma_start3A_135] : memref<10240x128xbf16, #tpu.memory_space<vmem_shared>> -> memref<10240x128xbf16, #tpu.memory_space<vmem_shared>>
      tpu.enqueue_indirect_dma source(%arg10 : memref<80x128xbf16, #tpu.memory_space<vmem>>) target(%dma_start3A_136 : memref<10240x128xbf16, #tpu.memory_space<vmem_shared>>) offsets(%dma_start3A_133 : memref<80xi32, #tpu.memory_space<vmem>>) semaphore(%arg21 : memref<!tpu.dma_semaphore, #tpu.memory_space<semaphore_mem>>) {add = true}
      %mul3A_137 = arith.constant 5 : i32
      %mul3A_138 = arith.muli %scan3A_51, %mul3A_137 : i32
      %add3A_139 = arith.constant 3 : i32
      %add3A_140 = arith.addi %mul3A_138, %add3A_139 : i32
      %add3A_141 = arith.constant 5 : i32
      %add3A_142 = arith.addi %add3A_140, %add3A_141 : i32
      %sub3A_143 = arith.constant 1 : i32
      %sub3A_144 = arith.subi %add3A_142, %sub3A_143 : i32
      %gt3A_145 = arith.constant 0 : i32
      %gt3A_146 = arith.cmpi sgt, %add3A_140, %gt3A_145 : i32
      %convert_element_type3A_147 = arith.extui %gt3A_146 : i1 to i32
      %cond3A_148 = arith.constant 0 : i32
      %cond3A_149 = arith.cmpi ne, %convert_element_type3A_147, %cond3A_148 : i32
      scf.if %cond3A_149 {
        %sub3A_197 = arith.constant 1 : i32
        %sub3A_198 = arith.subi %add3A_140, %sub3A_197 : i32
        %mul3A_199 = arith.constant 80 : i32
        %mul3A_200 = arith.muli %sub3A_198, %mul3A_199 : i32
        %dma_wait3A_201 = tpu.memref_slice %arg6[%mul3A_200] : memref<10000xi32, #tpu.memory_space<vmem>> -> memref<80xi32, #tpu.memory_space<vmem>>
        %dma_wait3A_202 = arith.constant 0 : i32
        %dma_wait3A_203 = arith.constant 0 : i32
        %dma_wait3A_204 = tpu.memref_slice %arg13[%dma_wait3A_202, %dma_wait3A_203] : memref<10240x128xbf16, #tpu.memory_space<vmem_shared>> -> memref<10240x128xbf16, #tpu.memory_space<vmem_shared>>
        tpu.wait_indirect_dma semaphore(%arg21 : memref<!tpu.dma_semaphore, #tpu.memory_space<semaphore_mem>>) src(%arg10 : memref<80x128xbf16, #tpu.memory_space<vmem>>) dst(%dma_wait3A_204 : memref<10240x128xbf16, #tpu.memory_space<vmem_shared>>)
      } else {
      }
      %lt3A_150 = arith.constant 125 : i32
      %lt3A_151 = arith.cmpi slt, %sub3A_144, %lt3A_150 : i32
      %convert_element_type3A_152 = arith.extui %lt3A_151 : i1 to i32
      %cond3A_153 = arith.constant 0 : i32
      %cond3A_154 = arith.cmpi ne, %convert_element_type3A_152, %cond3A_153 : i32
      scf.if %cond3A_154 {
        %mul3A_197 = arith.constant 80 : i32
        %mul3A_198 = arith.muli %sub3A_144, %mul3A_197 : i32
        %dma_start3A_199 = tpu.memref_slice %arg5[%mul3A_198] : memref<10000xi32, #tpu.memory_space<vmem>> -> memref<80xi32, #tpu.memory_space<vmem>>
        %dma_start3A_200 = arith.constant 0 : i32
        %dma_start3A_201 = arith.constant 0 : i32
        %dma_start3A_202 = tpu.memref_slice %arg2[%dma_start3A_200, %dma_start3A_201] : memref<10000x128xbf16, #tpu.memory_space<hbm>> -> memref<10000x128xbf16, #tpu.memory_space<hbm>>
        tpu.enqueue_indirect_dma source(%dma_start3A_202 : memref<10000x128xbf16, #tpu.memory_space<hbm>>) target(%arg10 : memref<80x128xbf16, #tpu.memory_space<vmem>>) offsets(%dma_start3A_199 : memref<80xi32, #tpu.memory_space<vmem>>) semaphore(%arg16 : memref<!tpu.dma_semaphore, #tpu.memory_space<semaphore_mem>>)
      } else {
      }
      %mul3A_155 = arith.constant 80 : i32
      %mul3A_156 = arith.muli %add3A_140, %mul3A_155 : i32
      %dma_wait3A_157 = tpu.memref_slice %arg5[%mul3A_156] : memref<10000xi32, #tpu.memory_space<vmem>> -> memref<80xi32, #tpu.memory_space<vmem>>
      %dma_wait3A_158 = arith.constant 0 : i32
      %dma_wait3A_159 = arith.constant 0 : i32
      %dma_wait3A_160 = tpu.memref_slice %arg2[%dma_wait3A_158, %dma_wait3A_159] : memref<10000x128xbf16, #tpu.memory_space<hbm>> -> memref<10000x128xbf16, #tpu.memory_space<hbm>>
      tpu.wait_indirect_dma semaphore(%arg17 : memref<!tpu.dma_semaphore, #tpu.memory_space<semaphore_mem>>) src(%dma_wait3A_160 : memref<10000x128xbf16, #tpu.memory_space<hbm>>) dst(%arg11 : memref<80x128xbf16, #tpu.memory_space<vmem>>)
      %mul3A_161 = arith.constant 80 : i32
      %mul3A_162 = arith.muli %add3A_140, %mul3A_161 : i32
      %dma_start3A_163 = tpu.memref_slice %arg6[%mul3A_162] : memref<10000xi32, #tpu.memory_space<vmem>> -> memref<80xi32, #tpu.memory_space<vmem>>
      %dma_start3A_164 = arith.constant 0 : i32
      %dma_start3A_165 = arith.constant 0 : i32
      %dma_start3A_166 = tpu.memref_slice %arg13[%dma_start3A_164, %dma_start3A_165] : memref<10240x128xbf16, #tpu.memory_space<vmem_shared>> -> memref<10240x128xbf16, #tpu.memory_space<vmem_shared>>
      tpu.enqueue_indirect_dma source(%arg11 : memref<80x128xbf16, #tpu.memory_space<vmem>>) target(%dma_start3A_166 : memref<10240x128xbf16, #tpu.memory_space<vmem_shared>>) offsets(%dma_start3A_163 : memref<80xi32, #tpu.memory_space<vmem>>) semaphore(%arg22 : memref<!tpu.dma_semaphore, #tpu.memory_space<semaphore_mem>>) {add = true}
      %mul3A_167 = arith.constant 5 : i32
      %mul3A_168 = arith.muli %scan3A_51, %mul3A_167 : i32
      %add3A_169 = arith.constant 4 : i32
      %add3A_170 = arith.addi %mul3A_168, %add3A_169 : i32
      %add3A_171 = arith.constant 5 : i32
      %add3A_172 = arith.addi %add3A_170, %add3A_171 : i32
      %sub3A_173 = arith.constant 1 : i32
      %sub3A_174 = arith.subi %add3A_172, %sub3A_173 : i32
      %gt3A_175 = arith.constant 0 : i32
      %gt3A_176 = arith.cmpi sgt, %add3A_170, %gt3A_175 : i32
      %convert_element_type3A_177 = arith.extui %gt3A_176 : i1 to i32
      %cond3A_178 = arith.constant 0 : i32
      %cond3A_179 = arith.cmpi ne, %convert_element_type3A_177, %cond3A_178 : i32
      scf.if %cond3A_179 {
        %sub3A_197 = arith.constant 1 : i32
        %sub3A_198 = arith.subi %add3A_170, %sub3A_197 : i32
        %mul3A_199 = arith.constant 80 : i32
        %mul3A_200 = arith.muli %sub3A_198, %mul3A_199 : i32
        %dma_wait3A_201 = tpu.memref_slice %arg6[%mul3A_200] : memref<10000xi32, #tpu.memory_space<vmem>> -> memref<80xi32, #tpu.memory_space<vmem>>
        %dma_wait3A_202 = arith.constant 0 : i32
        %dma_wait3A_203 = arith.constant 0 : i32
        %dma_wait3A_204 = tpu.memref_slice %arg13[%dma_wait3A_202, %dma_wait3A_203] : memref<10240x128xbf16, #tpu.memory_space<vmem_shared>> -> memref<10240x128xbf16, #tpu.memory_space<vmem_shared>>
        tpu.wait_indirect_dma semaphore(%arg22 : memref<!tpu.dma_semaphore, #tpu.memory_space<semaphore_mem>>) src(%arg11 : memref<80x128xbf16, #tpu.memory_space<vmem>>) dst(%dma_wait3A_204 : memref<10240x128xbf16, #tpu.memory_space<vmem_shared>>)
      } else {
      }
      %lt3A_180 = arith.constant 125 : i32
      %lt3A_181 = arith.cmpi slt, %sub3A_174, %lt3A_180 : i32
      %convert_element_type3A_182 = arith.extui %lt3A_181 : i1 to i32
      %cond3A_183 = arith.constant 0 : i32
      %cond3A_184 = arith.cmpi ne, %convert_element_type3A_182, %cond3A_183 : i32
      scf.if %cond3A_184 {
        %mul3A_197 = arith.constant 80 : i32
        %mul3A_198 = arith.muli %sub3A_174, %mul3A_197 : i32
        %dma_start3A_199 = tpu.memref_slice %arg5[%mul3A_198] : memref<10000xi32, #tpu.memory_space<vmem>> -> memref<80xi32, #tpu.memory_space<vmem>>
        %dma_start3A_200 = arith.constant 0 : i32
        %dma_start3A_201 = arith.constant 0 : i32
        %dma_start3A_202 = tpu.memref_slice %arg2[%dma_start3A_200, %dma_start3A_201] : memref<10000x128xbf16, #tpu.memory_space<hbm>> -> memref<10000x128xbf16, #tpu.memory_space<hbm>>
        tpu.enqueue_indirect_dma source(%dma_start3A_202 : memref<10000x128xbf16, #tpu.memory_space<hbm>>) target(%arg11 : memref<80x128xbf16, #tpu.memory_space<vmem>>) offsets(%dma_start3A_199 : memref<80xi32, #tpu.memory_space<vmem>>) semaphore(%arg17 : memref<!tpu.dma_semaphore, #tpu.memory_space<semaphore_mem>>)
      } else {
      }
      %mul3A_185 = arith.constant 80 : i32
      %mul3A_186 = arith.muli %add3A_170, %mul3A_185 : i32
      %dma_wait3A_187 = tpu.memref_slice %arg5[%mul3A_186] : memref<10000xi32, #tpu.memory_space<vmem>> -> memref<80xi32, #tpu.memory_space<vmem>>
      %dma_wait3A_188 = arith.constant 0 : i32
      %dma_wait3A_189 = arith.constant 0 : i32
      %dma_wait3A_190 = tpu.memref_slice %arg2[%dma_wait3A_188, %dma_wait3A_189] : memref<10000x128xbf16, #tpu.memory_space<hbm>> -> memref<10000x128xbf16, #tpu.memory_space<hbm>>
      tpu.wait_indirect_dma semaphore(%arg18 : memref<!tpu.dma_semaphore, #tpu.memory_space<semaphore_mem>>) src(%dma_wait3A_190 : memref<10000x128xbf16, #tpu.memory_space<hbm>>) dst(%arg12 : memref<80x128xbf16, #tpu.memory_space<vmem>>)
      %mul3A_191 = arith.constant 80 : i32
      %mul3A_192 = arith.muli %add3A_170, %mul3A_191 : i32
      %dma_start3A_193 = tpu.memref_slice %arg6[%mul3A_192] : memref<10000xi32, #tpu.memory_space<vmem>> -> memref<80xi32, #tpu.memory_space<vmem>>
      %dma_start3A_194 = arith.constant 0 : i32
      %dma_start3A_195 = arith.constant 0 : i32
      %dma_start3A_196 = tpu.memref_slice %arg13[%dma_start3A_194, %dma_start3A_195] : memref<10240x128xbf16, #tpu.memory_space<vmem_shared>> -> memref<10240x128xbf16, #tpu.memory_space<vmem_shared>>
      tpu.enqueue_indirect_dma source(%arg12 : memref<80x128xbf16, #tpu.memory_space<vmem>>) target(%dma_start3A_196 : memref<10240x128xbf16, #tpu.memory_space<vmem_shared>>) offsets(%dma_start3A_193 : memref<80xi32, #tpu.memory_space<vmem>>) semaphore(%arg23 : memref<!tpu.dma_semaphore, #tpu.memory_space<semaphore_mem>>) {add = true}
    }
    %scan3A_43 = arith.constant 25 : i32
    %dma_wait3A = arith.constant 9920 : i32
    %dma_wait3A_44 = tpu.memref_slice %arg6[%dma_wait3A] : memref<10000xi32, #tpu.memory_space<vmem>> -> memref<80xi32, #tpu.memory_space<vmem>>
    %dma_wait3A_45 = arith.constant 0 : i32
    %dma_wait3A_46 = arith.constant 0 : i32
    %dma_wait3A_47 = tpu.memref_slice %arg13[%dma_wait3A_45, %dma_wait3A_46] : memref<10240x128xbf16, #tpu.memory_space<vmem_shared>> -> memref<10240x128xbf16, #tpu.memory_space<vmem_shared>>
    tpu.wait_indirect_dma semaphore(%arg23 : memref<!tpu.dma_semaphore, #tpu.memory_space<semaphore_mem>>) src(%arg12 : memref<80x128xbf16, #tpu.memory_space<vmem>>) dst(%dma_wait3A_47 : memref<10240x128xbf16, #tpu.memory_space<vmem_shared>>)
    %barrier3A_48 = arith.constant 0 : index
    tpu.barrier barrier_id(%barrier3A_48)
    %mul3A_49 = arith.constant 128 : i32
    %mul3A_50 = arith.muli %arg0, %mul3A_49 : i32
    "tpu.region"() ({
      %run_scoped3A_51 = tpu.sem_alloc : memref<!tpu.dma_semaphore, #tpu.memory_space<semaphore_mem>>
      %dma_start3A_52 = tpu.memref_slice %arg4[%mul3A_2, %mul3A_50] : memref<10240x256xbf16, #tpu.memory_space<hbm>> -> memref<640x128xbf16, #tpu.memory_space<hbm>>
      %dma_start3A_53 = arith.constant 0 : i32
      %dma_start3A_54 = tpu.memref_slice %arg13[%mul3A_2, %dma_start3A_53] : memref<10240x128xbf16, #tpu.memory_space<vmem_shared>> -> memref<640x128xbf16, #tpu.memory_space<vmem_shared>>
      tpu.enqueue_dma source(%dma_start3A_54 : memref<640x128xbf16, #tpu.memory_space<vmem_shared>>) target(%dma_start3A_52 : memref<640x128xbf16, #tpu.memory_space<hbm>>) target_semaphore(%run_scoped3A_51 : memref<!tpu.dma_semaphore, #tpu.memory_space<semaphore_mem>>)
      %dma_wait3A_55 = tpu.memref_slice %arg4[%mul3A_2, %mul3A_50] : memref<10240x256xbf16, #tpu.memory_space<hbm>> -> memref<640x128xbf16, #tpu.memory_space<hbm>>
      %dma_wait3A_56 = arith.constant 0 : i32
      %dma_wait3A_57 = tpu.memref_slice %arg13[%mul3A_2, %dma_wait3A_56] : memref<10240x128xbf16, #tpu.memory_space<vmem_shared>> -> memref<640x128xbf16, #tpu.memory_space<vmem_shared>>
      tpu.wait_dma2 semaphore(%run_scoped3A_51 : memref<!tpu.dma_semaphore, #tpu.memory_space<semaphore_mem>>) src(%dma_wait3A_57 : memref<640x128xbf16, #tpu.memory_space<vmem_shared>>) dst(%dma_wait3A_55 : memref<640x128xbf16, #tpu.memory_space<hbm>>)
      tpu.yield
    }) : () -> ()
    return
  }
}

#map = affine_map<(d0, d1) -> (0, 0)>
module attributes {stable_mosaic.version = 14 : i64} {
  func.func @sc_segsum(%arg0: i32, %arg1: i32, %arg2: memref<10000x128xbf16, #tpu.memory_space<hbm>>, %arg3: memref<2x320000xi32, #tpu.memory_space<hbm>>, %arg4: memref<10240x256xbf16, #tpu.memory_space<hbm>>, %arg5: memref<10240x32xf32, #tpu.memory_space<hbm>>, %arg6: memref<10000xi32, #tpu.memory_space<vmem>>, %arg7: memref<10000xi32, #tpu.memory_space<vmem>>, %arg8: memref<64x128xbf16, #tpu.memory_space<vmem>>, %arg9: memref<80x128xbf16, #tpu.memory_space<vmem>>, %arg10: memref<80x128xbf16, #tpu.memory_space<vmem>>, %arg11: memref<80x128xbf16, #tpu.memory_space<vmem>>, %arg12: memref<80x128xbf16, #tpu.memory_space<vmem>>, %arg13: memref<80x128xbf16, #tpu.memory_space<vmem>>, %arg14: memref<10240x128xbf16, #tpu.memory_space<vmem_shared>>, %arg15: memref<!tpu.dma_semaphore, #tpu.memory_space<semaphore_mem>>, %arg16: memref<!tpu.dma_semaphore, #tpu.memory_space<semaphore_mem>>, %arg17: memref<!tpu.dma_semaphore, #tpu.memory_space<semaphore_mem>>, %arg18: memref<!tpu.dma_semaphore, #tpu.memory_space<semaphore_mem>>, %arg19: memref<!tpu.dma_semaphore, #tpu.memory_space<semaphore_mem>>, %arg20: memref<!tpu.dma_semaphore, #tpu.memory_space<semaphore_mem>>, %arg21: memref<!tpu.dma_semaphore, #tpu.memory_space<semaphore_mem>>, %arg22: memref<!tpu.dma_semaphore, #tpu.memory_space<semaphore_mem>>, %arg23: memref<!tpu.dma_semaphore, #tpu.memory_space<semaphore_mem>>, %arg24: memref<!tpu.dma_semaphore, #tpu.memory_space<semaphore_mem>>, %arg25: memref<!tpu.dma_semaphore, #tpu.memory_space<semaphore_mem>>, %arg26: memref<80x16xf32, #tpu.memory_space<vmem>>, %arg27: memref<64x16xf32, #tpu.memory_space<vmem>>, %arg28: memref<10240x16xf32, #tpu.memory_space<vmem_shared>>) attributes {dimension_semantics = [#tpu.dimension_semantics<core_parallel>, #tpu.dimension_semantics<subcore_parallel>], iteration_bounds = array<i64: 2, 16>, scalar_prefetch = 0 : i64, scratch_operands = 23 : i64, tpu.core_type = #tpu.core_type<sc_vector_subcore>, window_params = [{transform_indices = #map}, {transform_indices = #map}, {transform_indices = #map}, {transform_indices = #map}]} {
    %mul3A = arith.constant 2 : i32
    %mul3A_0 = arith.muli %arg1, %mul3A : i32
    %add3A = arith.addi %mul3A_0, %arg0 : i32
    %mul3A_1 = arith.constant 640 : i32
    %mul3A_2 = arith.muli %arg1, %mul3A_1 : i32
    %mul3A_3 = arith.constant 10000 : i32
    %mul3A_4 = arith.muli %add3A, %mul3A_3 : i32
    %run_scoped3A = arith.constant 0 : i32
    "tpu.region"() ({
      %run_scoped3A_58 = tpu.sem_alloc : memref<!tpu.dma_semaphore, #tpu.memory_space<semaphore_mem>>
      %dma_start3A_59 = tpu.memref_slice %arg3[%run_scoped3A, %mul3A_4] : memref<2x320000xi32, #tpu.memory_space<hbm>> -> memref<1x10000xi32, #tpu.memory_space<hbm>>
      %dma_start3A_60 = tpu.memref_squeeze %dma_start3A_59 : memref<1x10000xi32, #tpu.memory_space<hbm>> -> memref<10000xi32, #tpu.memory_space<hbm>>
      %dma_start3A_61 = tpu.memref_slice %arg3[%run_scoped3A, %mul3A_4] : memref<2x320000xi32, #tpu.memory_space<hbm>> -> memref<1x10000xi32, #tpu.memory_space<hbm>>
      %dma_start3A_62 = tpu.memref_squeeze %dma_start3A_61 : memref<1x10000xi32, #tpu.memory_space<hbm>> -> memref<10000xi32, #tpu.memory_space<hbm>>
      tpu.enqueue_dma source(%dma_start3A_62 : memref<10000xi32, #tpu.memory_space<hbm>>) target(%arg6 : memref<10000xi32, #tpu.memory_space<vmem>>) target_semaphore(%run_scoped3A_58 : memref<!tpu.dma_semaphore, #tpu.memory_space<semaphore_mem>>)
      %dma_wait3A_63 = tpu.memref_slice %arg3[%run_scoped3A, %mul3A_4] : memref<2x320000xi32, #tpu.memory_space<hbm>> -> memref<1x10000xi32, #tpu.memory_space<hbm>>
      %dma_wait3A_64 = tpu.memref_squeeze %dma_wait3A_63 : memref<1x10000xi32, #tpu.memory_space<hbm>> -> memref<10000xi32, #tpu.memory_space<hbm>>
      %dma_wait3A_65 = tpu.memref_slice %arg3[%run_scoped3A, %mul3A_4] : memref<2x320000xi32, #tpu.memory_space<hbm>> -> memref<1x10000xi32, #tpu.memory_space<hbm>>
      %dma_wait3A_66 = tpu.memref_squeeze %dma_wait3A_65 : memref<1x10000xi32, #tpu.memory_space<hbm>> -> memref<10000xi32, #tpu.memory_space<hbm>>
      tpu.wait_dma2 semaphore(%run_scoped3A_58 : memref<!tpu.dma_semaphore, #tpu.memory_space<semaphore_mem>>) src(%dma_wait3A_66 : memref<10000xi32, #tpu.memory_space<hbm>>) dst(%arg6 : memref<10000xi32, #tpu.memory_space<vmem>>)
      tpu.yield
    }) : () -> ()
    %mul3A_5 = arith.constant 10000 : i32
    %mul3A_6 = arith.muli %add3A, %mul3A_5 : i32
    %run_scoped3A_7 = arith.constant 1 : i32
    "tpu.region"() ({
      %run_scoped3A_58 = tpu.sem_alloc : memref<!tpu.dma_semaphore, #tpu.memory_space<semaphore_mem>>
      %dma_start3A_59 = tpu.memref_slice %arg3[%run_scoped3A_7, %mul3A_6] : memref<2x320000xi32, #tpu.memory_space<hbm>> -> memref<1x10000xi32, #tpu.memory_space<hbm>>
      %dma_start3A_60 = tpu.memref_squeeze %dma_start3A_59 : memref<1x10000xi32, #tpu.memory_space<hbm>> -> memref<10000xi32, #tpu.memory_space<hbm>>
      %dma_start3A_61 = tpu.memref_slice %arg3[%run_scoped3A_7, %mul3A_6] : memref<2x320000xi32, #tpu.memory_space<hbm>> -> memref<1x10000xi32, #tpu.memory_space<hbm>>
      %dma_start3A_62 = tpu.memref_squeeze %dma_start3A_61 : memref<1x10000xi32, #tpu.memory_space<hbm>> -> memref<10000xi32, #tpu.memory_space<hbm>>
      tpu.enqueue_dma source(%dma_start3A_62 : memref<10000xi32, #tpu.memory_space<hbm>>) target(%arg7 : memref<10000xi32, #tpu.memory_space<vmem>>) target_semaphore(%run_scoped3A_58 : memref<!tpu.dma_semaphore, #tpu.memory_space<semaphore_mem>>)
      %dma_wait3A_63 = tpu.memref_slice %arg3[%run_scoped3A_7, %mul3A_6] : memref<2x320000xi32, #tpu.memory_space<hbm>> -> memref<1x10000xi32, #tpu.memory_space<hbm>>
      %dma_wait3A_64 = tpu.memref_squeeze %dma_wait3A_63 : memref<1x10000xi32, #tpu.memory_space<hbm>> -> memref<10000xi32, #tpu.memory_space<hbm>>
      %dma_wait3A_65 = tpu.memref_slice %arg3[%run_scoped3A_7, %mul3A_6] : memref<2x320000xi32, #tpu.memory_space<hbm>> -> memref<1x10000xi32, #tpu.memory_space<hbm>>
      %dma_wait3A_66 = tpu.memref_squeeze %dma_wait3A_65 : memref<1x10000xi32, #tpu.memory_space<hbm>> -> memref<10000xi32, #tpu.memory_space<hbm>>
      tpu.wait_dma2 semaphore(%run_scoped3A_58 : memref<!tpu.dma_semaphore, #tpu.memory_space<semaphore_mem>>) src(%dma_wait3A_66 : memref<10000xi32, #tpu.memory_space<hbm>>) dst(%arg7 : memref<10000xi32, #tpu.memory_space<vmem>>)
      tpu.yield
    }) : () -> ()
    %scan3A = arith.constant 0 : i32
    %scan3A_8 = arith.constant 0 : i32
    %scan3A_9 = arith.constant 80 : i32
    %scan3A_10 = arith.addi %scan3A_8, %scan3A_9 : i32
    %scan3A_11 = arith.constant 1 : i32
    scf.for %scan3A_58 = %scan3A_8 to %scan3A_10 step %scan3A_11  : i32 {
      %broadcast_in_dim3A = arith.constant 0.000000e+00 : bf16
      %broadcast_in_dim3A_59 = vector.broadcast %broadcast_in_dim3A : bf16 to vector<32xbf16>
      %swap3A = arith.index_cast %scan3A_58 : i32 to index
      %swap3A_60 = arith.constant 0 : index
      %swap3A_61 = tpu.vector_load %arg8[%swap3A, %swap3A_60] {strides = array<i32>} : memref<64x128xbf16, #tpu.memory_space<vmem>>, vector<1x32xbf16>,
      %swap3A_62 = vector.shape_cast %swap3A_61 : vector<1x32xbf16> to vector<32xbf16>
      %swap3A_63 = vector.shape_cast %broadcast_in_dim3A_59 : vector<32xbf16> to vector<1x32xbf16>
      tpu.vector_store %arg8[%swap3A, %swap3A_60], %swap3A_63 {strides = array<i32>} : memref<64x128xbf16, #tpu.memory_space<vmem>>, vector<1x32xbf16>,
      %broadcast_in_dim3A_64 = arith.constant 0.000000e+00 : bf16
      %broadcast_in_dim3A_65 = vector.broadcast %broadcast_in_dim3A_64 : bf16 to vector<32xbf16>
      %swap3A_66 = arith.index_cast %scan3A_58 : i32 to index
      %swap3A_67 = arith.constant 32 : index
      %swap3A_68 = tpu.vector_load %arg8[%swap3A_66, %swap3A_67] {strides = array<i32>} : memref<64x128xbf16, #tpu.memory_space<vmem>>, vector<1x32xbf16>,
      %swap3A_69 = vector.shape_cast %swap3A_68 : vector<1x32xbf16> to vector<32xbf16>
      %swap3A_70 = vector.shape_cast %broadcast_in_dim3A_65 : vector<32xbf16> to vector<1x32xbf16>
      tpu.vector_store %arg8[%swap3A_66, %swap3A_67], %swap3A_70 {strides = array<i32>} : memref<64x128xbf16, #tpu.memory_space<vmem>>, vector<1x32xbf16>,
      %broadcast_in_dim3A_71 = arith.constant 0.000000e+00 : bf16
      %broadcast_in_dim3A_72 = vector.broadcast %broadcast_in_dim3A_71 : bf16 to vector<32xbf16>
      %swap3A_73 = arith.index_cast %scan3A_58 : i32 to index
      %swap3A_74 = arith.constant 64 : index
      %swap3A_75 = tpu.vector_load %arg8[%swap3A_73, %swap3A_74] {strides = array<i32>} : memref<64x128xbf16, #tpu.memory_space<vmem>>, vector<1x32xbf16>,
      %swap3A_76 = vector.shape_cast %swap3A_75 : vector<1x32xbf16> to vector<32xbf16>
      %swap3A_77 = vector.shape_cast %broadcast_in_dim3A_72 : vector<32xbf16> to vector<1x32xbf16>
      tpu.vector_store %arg8[%swap3A_73, %swap3A_74], %swap3A_77 {strides = array<i32>} : memref<64x128xbf16, #tpu.memory_space<vmem>>, vector<1x32xbf16>,
      %broadcast_in_dim3A_78 = arith.constant 0.000000e+00 : bf16
      %broadcast_in_dim3A_79 = vector.broadcast %broadcast_in_dim3A_78 : bf16 to vector<32xbf16>
      %swap3A_80 = arith.index_cast %scan3A_58 : i32 to index
      %swap3A_81 = arith.constant 96 : index
      %swap3A_82 = tpu.vector_load %arg8[%swap3A_80, %swap3A_81] {strides = array<i32>} : memref<64x128xbf16, #tpu.memory_space<vmem>>, vector<1x32xbf16>,
      %swap3A_83 = vector.shape_cast %swap3A_82 : vector<1x32xbf16> to vector<32xbf16>
      %swap3A_84 = vector.shape_cast %broadcast_in_dim3A_79 : vector<32xbf16> to vector<1x32xbf16>
      tpu.vector_store %arg8[%swap3A_80, %swap3A_81], %swap3A_84 {strides = array<i32>} : memref<64x128xbf16, #tpu.memory_space<vmem>>, vector<1x32xbf16>,
      %lt3A = arith.constant 80 : i32
      %lt3A_85 = arith.cmpi slt, %scan3A_58, %lt3A : i32
      %convert_element_type3A = arith.extui %lt3A_85 : i1 to i32
      %cond3A = arith.constant 0 : i32
      %cond3A_86 = arith.cmpi ne, %convert_element_type3A, %cond3A : i32
      scf.if %cond3A_86 {
        %broadcast_in_dim3A_92 = arith.constant 1.000000e+00 : f32
        %broadcast_in_dim3A_93 = vector.broadcast %broadcast_in_dim3A_92 : f32 to vector<16xf32>
        %swap3A_94 = arith.index_cast %scan3A_58 : i32 to index
        %swap3A_95 = arith.constant 0 : index
        %swap3A_96 = tpu.vector_load %arg26[%swap3A_94, %swap3A_95] {strides = array<i32>} : memref<80x16xf32, #tpu.memory_space<vmem>>, vector<1x16xf32>,
        %swap3A_97 = vector.shape_cast %swap3A_96 : vector<1x16xf32> to vector<16xf32>
        %swap3A_98 = vector.shape_cast %broadcast_in_dim3A_93 : vector<16xf32> to vector<1x16xf32>
        tpu.vector_store %arg26[%swap3A_94, %swap3A_95], %swap3A_98 {strides = array<i32>} : memref<80x16xf32, #tpu.memory_space<vmem>>, vector<1x16xf32>,
      } else {
      }
      %lt3A_87 = arith.constant 64 : i32
      %lt3A_88 = arith.cmpi slt, %scan3A_58, %lt3A_87 : i32
      %convert_element_type3A_89 = arith.extui %lt3A_88 : i1 to i32
      %cond3A_90 = arith.constant 0 : i32
      %cond3A_91 = arith.cmpi ne, %convert_element_type3A_89, %cond3A_90 : i32
      scf.if %cond3A_91 {
        %broadcast_in_dim3A_92 = arith.constant 0.000000e+00 : f32
        %broadcast_in_dim3A_93 = vector.broadcast %broadcast_in_dim3A_92 : f32 to vector<16xf32>
        %swap3A_94 = arith.index_cast %scan3A_58 : i32 to index
        %swap3A_95 = arith.constant 0 : index
        %swap3A_96 = tpu.vector_load %arg27[%swap3A_94, %swap3A_95] {strides = array<i32>} : memref<64x16xf32, #tpu.memory_space<vmem>>, vector<1x16xf32>,
        %swap3A_97 = vector.shape_cast %swap3A_96 : vector<1x16xf32> to vector<16xf32>
        %swap3A_98 = vector.shape_cast %broadcast_in_dim3A_93 : vector<16xf32> to vector<1x16xf32>
        tpu.vector_store %arg27[%swap3A_94, %swap3A_95], %swap3A_98 {strides = array<i32>} : memref<64x16xf32, #tpu.memory_space<vmem>>, vector<1x16xf32>,
      } else {
      }
    }
    %scan3A_12 = arith.constant 80 : i32
    %scan3A_13 = arith.constant 0 : i32
    %scan3A_14 = arith.constant 0 : i32
    %scan3A_15 = arith.constant 10 : i32
    %scan3A_16 = arith.addi %scan3A_14, %scan3A_15 : i32
    %scan3A_17 = arith.constant 1 : i32
    scf.for %scan3A_58 = %scan3A_14 to %scan3A_16 step %scan3A_17  : i32 {
      %mul3A_59 = arith.constant 64 : i32
      %mul3A_60 = arith.muli %scan3A_58, %mul3A_59 : i32
      %add3A_61 = arith.addi %mul3A_2, %mul3A_60 : i32
      "tpu.region"() ({
        %run_scoped3A_65 = tpu.sem_alloc : memref<!tpu.dma_semaphore, #tpu.memory_space<semaphore_mem>>
        %dma_start3A_66 = arith.constant 0 : i32
        %dma_start3A_67 = tpu.memref_slice %arg14[%add3A_61, %dma_start3A_66] : memref<10240x128xbf16, #tpu.memory_space<vmem_shared>> -> memref<64x128xbf16, #tpu.memory_space<vmem_shared>>
        %dma_start3A_68 = arith.constant 0 : i32
        %dma_start3A_69 = tpu.memref_slice %arg14[%add3A_61, %dma_start3A_68] : memref<10240x128xbf16, #tpu.memory_space<vmem_shared>> -> memref<64x128xbf16, #tpu.memory_space<vmem_shared>>
        tpu.enqueue_dma source(%arg8 : memref<64x128xbf16, #tpu.memory_space<vmem>>) target(%dma_start3A_69 : memref<64x128xbf16, #tpu.memory_space<vmem_shared>>) target_semaphore(%run_scoped3A_65 : memref<!tpu.dma_semaphore, #tpu.memory_space<semaphore_mem>>)
        %dma_wait3A_70 = arith.constant 0 : i32
        %dma_wait3A_71 = tpu.memref_slice %arg14[%add3A_61, %dma_wait3A_70] : memref<10240x128xbf16, #tpu.memory_space<vmem_shared>> -> memref<64x128xbf16, #tpu.memory_space<vmem_shared>>
        %dma_wait3A_72 = arith.constant 0 : i32
        %dma_wait3A_73 = tpu.memref_slice %arg14[%add3A_61, %dma_wait3A_72] : memref<10240x128xbf16, #tpu.memory_space<vmem_shared>> -> memref<64x128xbf16, #tpu.memory_space<vmem_shared>>
        tpu.wait_dma2 semaphore(%run_scoped3A_65 : memref<!tpu.dma_semaphore, #tpu.memory_space<semaphore_mem>>) src(%arg8 : memref<64x128xbf16, #tpu.memory_space<vmem>>) dst(%dma_wait3A_73 : memref<64x128xbf16, #tpu.memory_space<vmem_shared>>)
        tpu.yield
      }) : () -> ()
      %mul3A_62 = arith.constant 64 : i32
      %mul3A_63 = arith.muli %scan3A_58, %mul3A_62 : i32
      %add3A_64 = arith.addi %mul3A_2, %mul3A_63 : i32
      "tpu.region"() ({
        %run_scoped3A_65 = tpu.sem_alloc : memref<!tpu.dma_semaphore, #tpu.memory_space<semaphore_mem>>
        %dma_start3A_66 = arith.constant 0 : i32
        %dma_start3A_67 = tpu.memref_slice %arg28[%add3A_64, %dma_start3A_66] : memref<10240x16xf32, #tpu.memory_space<vmem_shared>> -> memref<64x16xf32, #tpu.memory_space<vmem_shared>>
        %dma_start3A_68 = arith.constant 0 : i32
        %dma_start3A_69 = tpu.memref_slice %arg28[%add3A_64, %dma_start3A_68] : memref<10240x16xf32, #tpu.memory_space<vmem_shared>> -> memref<64x16xf32, #tpu.memory_space<vmem_shared>>
        tpu.enqueue_dma source(%arg27 : memref<64x16xf32, #tpu.memory_space<vmem>>) target(%dma_start3A_69 : memref<64x16xf32, #tpu.memory_space<vmem_shared>>) target_semaphore(%run_scoped3A_65 : memref<!tpu.dma_semaphore, #tpu.memory_space<semaphore_mem>>)
        %dma_wait3A_70 = arith.constant 0 : i32
        %dma_wait3A_71 = tpu.memref_slice %arg28[%add3A_64, %dma_wait3A_70] : memref<10240x16xf32, #tpu.memory_space<vmem_shared>> -> memref<64x16xf32, #tpu.memory_space<vmem_shared>>
        %dma_wait3A_72 = arith.constant 0 : i32
        %dma_wait3A_73 = tpu.memref_slice %arg28[%add3A_64, %dma_wait3A_72] : memref<10240x16xf32, #tpu.memory_space<vmem_shared>> -> memref<64x16xf32, #tpu.memory_space<vmem_shared>>
        tpu.wait_dma2 semaphore(%run_scoped3A_65 : memref<!tpu.dma_semaphore, #tpu.memory_space<semaphore_mem>>) src(%arg27 : memref<64x16xf32, #tpu.memory_space<vmem>>) dst(%dma_wait3A_73 : memref<64x16xf32, #tpu.memory_space<vmem_shared>>)
        tpu.yield
      }) : () -> ()
    }
    %scan3A_18 = arith.constant 10 : i32
    %barrier3A = arith.constant 0 : index
    tpu.barrier barrier_id(%barrier3A)
    %dma_start3A = arith.constant 0 : i32
    %dma_start3A_19 = tpu.memref_slice %arg6[%dma_start3A] : memref<10000xi32, #tpu.memory_space<vmem>> -> memref<80xi32, #tpu.memory_space<vmem>>
    %dma_start3A_20 = arith.constant 0 : i32
    %dma_start3A_21 = arith.constant 0 : i32
    %dma_start3A_22 = tpu.memref_slice %arg2[%dma_start3A_20, %dma_start3A_21] : memref<10000x128xbf16, #tpu.memory_space<hbm>> -> memref<10000x128xbf16, #tpu.memory_space<hbm>>
    tpu.enqueue_indirect_dma source(%dma_start3A_22 : memref<10000x128xbf16, #tpu.memory_space<hbm>>) target(%arg9 : memref<80x128xbf16, #tpu.memory_space<vmem>>) offsets(%dma_start3A_19 : memref<80xi32, #tpu.memory_space<vmem>>) semaphore(%arg15 : memref<!tpu.dma_semaphore, #tpu.memory_space<semaphore_mem>>)
    %dma_start3A_23 = arith.constant 80 : i32
    %dma_start3A_24 = tpu.memref_slice %arg6[%dma_start3A_23] : memref<10000xi32, #tpu.memory_space<vmem>> -> memref<80xi32, #tpu.memory_space<vmem>>
    %dma_start3A_25 = arith.constant 0 : i32
    %dma_start3A_26 = arith.constant 0 : i32
    %dma_start3A_27 = tpu.memref_slice %arg2[%dma_start3A_25, %dma_start3A_26] : memref<10000x128xbf16, #tpu.memory_space<hbm>> -> memref<10000x128xbf16, #tpu.memory_space<hbm>>
    tpu.enqueue_indirect_dma source(%dma_start3A_27 : memref<10000x128xbf16, #tpu.memory_space<hbm>>) target(%arg10 : memref<80x128xbf16, #tpu.memory_space<vmem>>) offsets(%dma_start3A_24 : memref<80xi32, #tpu.memory_space<vmem>>) semaphore(%arg16 : memref<!tpu.dma_semaphore, #tpu.memory_space<semaphore_mem>>)
    %dma_start3A_28 = arith.constant 160 : i32
    %dma_start3A_29 = tpu.memref_slice %arg6[%dma_start3A_28] : memref<10000xi32, #tpu.memory_space<vmem>> -> memref<80xi32, #tpu.memory_space<vmem>>
    %dma_start3A_30 = arith.constant 0 : i32
    %dma_start3A_31 = arith.constant 0 : i32
    %dma_start3A_32 = tpu.memref_slice %arg2[%dma_start3A_30, %dma_start3A_31] : memref<10000x128xbf16, #tpu.memory_space<hbm>> -> memref<10000x128xbf16, #tpu.memory_space<hbm>>
    tpu.enqueue_indirect_dma source(%dma_start3A_32 : memref<10000x128xbf16, #tpu.memory_space<hbm>>) target(%arg11 : memref<80x128xbf16, #tpu.memory_space<vmem>>) offsets(%dma_start3A_29 : memref<80xi32, #tpu.memory_space<vmem>>) semaphore(%arg17 : memref<!tpu.dma_semaphore, #tpu.memory_space<semaphore_mem>>)
    %dma_start3A_33 = arith.constant 240 : i32
    %dma_start3A_34 = tpu.memref_slice %arg6[%dma_start3A_33] : memref<10000xi32, #tpu.memory_space<vmem>> -> memref<80xi32, #tpu.memory_space<vmem>>
    %dma_start3A_35 = arith.constant 0 : i32
    %dma_start3A_36 = arith.constant 0 : i32
    %dma_start3A_37 = tpu.memref_slice %arg2[%dma_start3A_35, %dma_start3A_36] : memref<10000x128xbf16, #tpu.memory_space<hbm>> -> memref<10000x128xbf16, #tpu.memory_space<hbm>>
    tpu.enqueue_indirect_dma source(%dma_start3A_37 : memref<10000x128xbf16, #tpu.memory_space<hbm>>) target(%arg12 : memref<80x128xbf16, #tpu.memory_space<vmem>>) offsets(%dma_start3A_34 : memref<80xi32, #tpu.memory_space<vmem>>) semaphore(%arg18 : memref<!tpu.dma_semaphore, #tpu.memory_space<semaphore_mem>>)
    %scan3A_38 = arith.constant 0 : i32
    %scan3A_39 = arith.constant 0 : i32
    %scan3A_40 = arith.constant 25 : i32
    %scan3A_41 = arith.addi %scan3A_39, %scan3A_40 : i32
    %scan3A_42 = arith.constant 1 : i32
    scf.for %scan3A_58 = %scan3A_39 to %scan3A_41 step %scan3A_42  : i32 {
      %mul3A_59 = arith.constant 5 : i32
      %mul3A_60 = arith.muli %scan3A_58, %mul3A_59 : i32
      %add3A_61 = arith.constant 0 : i32
      %add3A_62 = arith.addi %mul3A_60, %add3A_61 : i32
      %add3A_63 = arith.constant 5 : i32
      %add3A_64 = arith.addi %add3A_62, %add3A_63 : i32
      %sub3A = arith.constant 1 : i32
      %sub3A_65 = arith.subi %add3A_64, %sub3A : i32
      %gt3A = arith.constant 0 : i32
      %gt3A_66 = arith.cmpi sgt, %add3A_62, %gt3A : i32
      %convert_element_type3A = arith.extui %gt3A_66 : i1 to i32
      %cond3A = arith.constant 0 : i32
      %cond3A_67 = arith.cmpi ne, %convert_element_type3A, %cond3A : i32
      scf.if %cond3A_67 {
        %sub3A_259 = arith.constant 1 : i32
        %sub3A_260 = arith.subi %add3A_62, %sub3A_259 : i32
        %mul3A_261 = arith.constant 80 : i32
        %mul3A_262 = arith.muli %sub3A_260, %mul3A_261 : i32
        %dma_wait3A_263 = tpu.memref_slice %arg7[%mul3A_262] : memref<10000xi32, #tpu.memory_space<vmem>> -> memref<80xi32, #tpu.memory_space<vmem>>
        %dma_wait3A_264 = arith.constant 0 : i32
        %dma_wait3A_265 = arith.constant 0 : i32
        %dma_wait3A_266 = tpu.memref_slice %arg14[%dma_wait3A_264, %dma_wait3A_265] : memref<10240x128xbf16, #tpu.memory_space<vmem_shared>> -> memref<10240x128xbf16, #tpu.memory_space<vmem_shared>>
        tpu.wait_indirect_dma semaphore(%arg24 : memref<!tpu.dma_semaphore, #tpu.memory_space<semaphore_mem>>) src(%arg13 : memref<80x128xbf16, #tpu.memory_space<vmem>>) dst(%dma_wait3A_266 : memref<10240x128xbf16, #tpu.memory_space<vmem_shared>>)
      } else {
      }
      %lt3A = arith.constant 125 : i32
      %lt3A_68 = arith.cmpi slt, %sub3A_65, %lt3A : i32
      %convert_element_type3A_69 = arith.extui %lt3A_68 : i1 to i32
      %cond3A_70 = arith.constant 0 : i32
      %cond3A_71 = arith.cmpi ne, %convert_element_type3A_69, %cond3A_70 : i32
      scf.if %cond3A_71 {
        %mul3A_259 = arith.constant 80 : i32
        %mul3A_260 = arith.muli %sub3A_65, %mul3A_259 : i32
        %dma_start3A_261 = tpu.memref_slice %arg6[%mul3A_260] : memref<10000xi32, #tpu.memory_space<vmem>> -> memref<80xi32, #tpu.memory_space<vmem>>
        %dma_start3A_262 = arith.constant 0 : i32
        %dma_start3A_263 = arith.constant 0 : i32
        %dma_start3A_264 = tpu.memref_slice %arg2[%dma_start3A_262, %dma_start3A_263] : memref<10000x128xbf16, #tpu.memory_space<hbm>> -> memref<10000x128xbf16, #tpu.memory_space<hbm>>
        tpu.enqueue_indirect_dma source(%dma_start3A_264 : memref<10000x128xbf16, #tpu.memory_space<hbm>>) target(%arg13 : memref<80x128xbf16, #tpu.memory_space<vmem>>) offsets(%dma_start3A_261 : memref<80xi32, #tpu.memory_space<vmem>>) semaphore(%arg19 : memref<!tpu.dma_semaphore, #tpu.memory_space<semaphore_mem>>)
      } else {
      }
      %mul3A_72 = arith.constant 80 : i32
      %mul3A_73 = arith.muli %add3A_62, %mul3A_72 : i32
      %dma_wait3A_74 = tpu.memref_slice %arg6[%mul3A_73] : memref<10000xi32, #tpu.memory_space<vmem>> -> memref<80xi32, #tpu.memory_space<vmem>>
      %dma_wait3A_75 = arith.constant 0 : i32
      %dma_wait3A_76 = arith.constant 0 : i32
      %dma_wait3A_77 = tpu.memref_slice %arg2[%dma_wait3A_75, %dma_wait3A_76] : memref<10000x128xbf16, #tpu.memory_space<hbm>> -> memref<10000x128xbf16, #tpu.memory_space<hbm>>
      tpu.wait_indirect_dma semaphore(%arg15 : memref<!tpu.dma_semaphore, #tpu.memory_space<semaphore_mem>>) src(%dma_wait3A_77 : memref<10000x128xbf16, #tpu.memory_space<hbm>>) dst(%arg9 : memref<80x128xbf16, #tpu.memory_space<vmem>>)
      %mul3A_78 = arith.constant 80 : i32
      %mul3A_79 = arith.muli %add3A_62, %mul3A_78 : i32
      %dma_start3A_80 = tpu.memref_slice %arg7[%mul3A_79] : memref<10000xi32, #tpu.memory_space<vmem>> -> memref<80xi32, #tpu.memory_space<vmem>>
      %dma_start3A_81 = arith.constant 0 : i32
      %dma_start3A_82 = arith.constant 0 : i32
      %dma_start3A_83 = tpu.memref_slice %arg14[%dma_start3A_81, %dma_start3A_82] : memref<10240x128xbf16, #tpu.memory_space<vmem_shared>> -> memref<10240x128xbf16, #tpu.memory_space<vmem_shared>>
      tpu.enqueue_indirect_dma source(%arg9 : memref<80x128xbf16, #tpu.memory_space<vmem>>) target(%dma_start3A_83 : memref<10240x128xbf16, #tpu.memory_space<vmem_shared>>) offsets(%dma_start3A_80 : memref<80xi32, #tpu.memory_space<vmem>>) semaphore(%arg20 : memref<!tpu.dma_semaphore, #tpu.memory_space<semaphore_mem>>) {add = true}
      %mul3A_84 = arith.constant 80 : i32
      %mul3A_85 = arith.muli %add3A_62, %mul3A_84 : i32
      %dma_start3A_86 = tpu.memref_slice %arg7[%mul3A_85] : memref<10000xi32, #tpu.memory_space<vmem>> -> memref<80xi32, #tpu.memory_space<vmem>>
      %dma_start3A_87 = arith.constant 0 : i32
      %dma_start3A_88 = arith.constant 0 : i32
      %dma_start3A_89 = tpu.memref_slice %arg28[%dma_start3A_87, %dma_start3A_88] : memref<10240x16xf32, #tpu.memory_space<vmem_shared>> -> memref<10240x16xf32, #tpu.memory_space<vmem_shared>>
      tpu.enqueue_indirect_dma source(%arg26 : memref<80x16xf32, #tpu.memory_space<vmem>>) target(%dma_start3A_89 : memref<10240x16xf32, #tpu.memory_space<vmem_shared>>) offsets(%dma_start3A_86 : memref<80xi32, #tpu.memory_space<vmem>>) semaphore(%arg25 : memref<!tpu.dma_semaphore, #tpu.memory_space<semaphore_mem>>) {add = true}
      %gt3A_90 = arith.constant 0 : i32
      %gt3A_91 = arith.cmpi sgt, %add3A_62, %gt3A_90 : i32
      %convert_element_type3A_92 = arith.extui %gt3A_91 : i1 to i32
      %cond3A_93 = arith.constant 0 : i32
      %cond3A_94 = arith.cmpi ne, %convert_element_type3A_92, %cond3A_93 : i32
      scf.if %cond3A_94 {
        %sub3A_259 = arith.constant 1 : i32
        %sub3A_260 = arith.subi %add3A_62, %sub3A_259 : i32
        %mul3A_261 = arith.constant 80 : i32
        %mul3A_262 = arith.muli %sub3A_260, %mul3A_261 : i32
        %dma_wait3A_263 = tpu.memref_slice %arg7[%mul3A_262] : memref<10000xi32, #tpu.memory_space<vmem>> -> memref<80xi32, #tpu.memory_space<vmem>>
        %dma_wait3A_264 = arith.constant 0 : i32
        %dma_wait3A_265 = arith.constant 0 : i32
        %dma_wait3A_266 = tpu.memref_slice %arg28[%dma_wait3A_264, %dma_wait3A_265] : memref<10240x16xf32, #tpu.memory_space<vmem_shared>> -> memref<10240x16xf32, #tpu.memory_space<vmem_shared>>
        tpu.wait_indirect_dma semaphore(%arg25 : memref<!tpu.dma_semaphore, #tpu.memory_space<semaphore_mem>>) src(%arg26 : memref<80x16xf32, #tpu.memory_space<vmem>>) dst(%dma_wait3A_266 : memref<10240x16xf32, #tpu.memory_space<vmem_shared>>)
      } else {
      }
      %mul3A_95 = arith.constant 5 : i32
      %mul3A_96 = arith.muli %scan3A_58, %mul3A_95 : i32
      %add3A_97 = arith.constant 1 : i32
      %add3A_98 = arith.addi %mul3A_96, %add3A_97 : i32
      %add3A_99 = arith.constant 5 : i32
      %add3A_100 = arith.addi %add3A_98, %add3A_99 : i32
      %sub3A_101 = arith.constant 1 : i32
      %sub3A_102 = arith.subi %add3A_100, %sub3A_101 : i32
      %gt3A_103 = arith.constant 0 : i32
      %gt3A_104 = arith.cmpi sgt, %add3A_98, %gt3A_103 : i32
      %convert_element_type3A_105 = arith.extui %gt3A_104 : i1 to i32
      %cond3A_106 = arith.constant 0 : i32
      %cond3A_107 = arith.cmpi ne, %convert_element_type3A_105, %cond3A_106 : i32
      scf.if %cond3A_107 {
        %sub3A_259 = arith.constant 1 : i32
        %sub3A_260 = arith.subi %add3A_98, %sub3A_259 : i32
        %mul3A_261 = arith.constant 80 : i32
        %mul3A_262 = arith.muli %sub3A_260, %mul3A_261 : i32
        %dma_wait3A_263 = tpu.memref_slice %arg7[%mul3A_262] : memref<10000xi32, #tpu.memory_space<vmem>> -> memref<80xi32, #tpu.memory_space<vmem>>
        %dma_wait3A_264 = arith.constant 0 : i32
        %dma_wait3A_265 = arith.constant 0 : i32
        %dma_wait3A_266 = tpu.memref_slice %arg14[%dma_wait3A_264, %dma_wait3A_265] : memref<10240x128xbf16, #tpu.memory_space<vmem_shared>> -> memref<10240x128xbf16, #tpu.memory_space<vmem_shared>>
        tpu.wait_indirect_dma semaphore(%arg20 : memref<!tpu.dma_semaphore, #tpu.memory_space<semaphore_mem>>) src(%arg9 : memref<80x128xbf16, #tpu.memory_space<vmem>>) dst(%dma_wait3A_266 : memref<10240x128xbf16, #tpu.memory_space<vmem_shared>>)
      } else {
      }
      %lt3A_108 = arith.constant 125 : i32
      %lt3A_109 = arith.cmpi slt, %sub3A_102, %lt3A_108 : i32
      %convert_element_type3A_110 = arith.extui %lt3A_109 : i1 to i32
      %cond3A_111 = arith.constant 0 : i32
      %cond3A_112 = arith.cmpi ne, %convert_element_type3A_110, %cond3A_111 : i32
      scf.if %cond3A_112 {
        %mul3A_259 = arith.constant 80 : i32
        %mul3A_260 = arith.muli %sub3A_102, %mul3A_259 : i32
        %dma_start3A_261 = tpu.memref_slice %arg6[%mul3A_260] : memref<10000xi32, #tpu.memory_space<vmem>> -> memref<80xi32, #tpu.memory_space<vmem>>
        %dma_start3A_262 = arith.constant 0 : i32
        %dma_start3A_263 = arith.constant 0 : i32
        %dma_start3A_264 = tpu.memref_slice %arg2[%dma_start3A_262, %dma_start3A_263] : memref<10000x128xbf16, #tpu.memory_space<hbm>> -> memref<10000x128xbf16, #tpu.memory_space<hbm>>
        tpu.enqueue_indirect_dma source(%dma_start3A_264 : memref<10000x128xbf16, #tpu.memory_space<hbm>>) target(%arg9 : memref<80x128xbf16, #tpu.memory_space<vmem>>) offsets(%dma_start3A_261 : memref<80xi32, #tpu.memory_space<vmem>>) semaphore(%arg15 : memref<!tpu.dma_semaphore, #tpu.memory_space<semaphore_mem>>)
      } else {
      }
      %mul3A_113 = arith.constant 80 : i32
      %mul3A_114 = arith.muli %add3A_98, %mul3A_113 : i32
      %dma_wait3A_115 = tpu.memref_slice %arg6[%mul3A_114] : memref<10000xi32, #tpu.memory_space<vmem>> -> memref<80xi32, #tpu.memory_space<vmem>>
      %dma_wait3A_116 = arith.constant 0 : i32
      %dma_wait3A_117 = arith.constant 0 : i32
      %dma_wait3A_118 = tpu.memref_slice %arg2[%dma_wait3A_116, %dma_wait3A_117] : memref<10000x128xbf16, #tpu.memory_space<hbm>> -> memref<10000x128xbf16, #tpu.memory_space<hbm>>
      tpu.wait_indirect_dma semaphore(%arg16 : memref<!tpu.dma_semaphore, #tpu.memory_space<semaphore_mem>>) src(%dma_wait3A_118 : memref<10000x128xbf16, #tpu.memory_space<hbm>>) dst(%arg10 : memref<80x128xbf16, #tpu.memory_space<vmem>>)
      %mul3A_119 = arith.constant 80 : i32
      %mul3A_120 = arith.muli %add3A_98, %mul3A_119 : i32
      %dma_start3A_121 = tpu.memref_slice %arg7[%mul3A_120] : memref<10000xi32, #tpu.memory_space<vmem>> -> memref<80xi32, #tpu.memory_space<vmem>>
      %dma_start3A_122 = arith.constant 0 : i32
      %dma_start3A_123 = arith.constant 0 : i32
      %dma_start3A_124 = tpu.memref_slice %arg14[%dma_start3A_122, %dma_start3A_123] : memref<10240x128xbf16, #tpu.memory_space<vmem_shared>> -> memref<10240x128xbf16, #tpu.memory_space<vmem_shared>>
      tpu.enqueue_indirect_dma source(%arg10 : memref<80x128xbf16, #tpu.memory_space<vmem>>) target(%dma_start3A_124 : memref<10240x128xbf16, #tpu.memory_space<vmem_shared>>) offsets(%dma_start3A_121 : memref<80xi32, #tpu.memory_space<vmem>>) semaphore(%arg21 : memref<!tpu.dma_semaphore, #tpu.memory_space<semaphore_mem>>) {add = true}
      %mul3A_125 = arith.constant 80 : i32
      %mul3A_126 = arith.muli %add3A_98, %mul3A_125 : i32
      %dma_start3A_127 = tpu.memref_slice %arg7[%mul3A_126] : memref<10000xi32, #tpu.memory_space<vmem>> -> memref<80xi32, #tpu.memory_space<vmem>>
      %dma_start3A_128 = arith.constant 0 : i32
      %dma_start3A_129 = arith.constant 0 : i32
      %dma_start3A_130 = tpu.memref_slice %arg28[%dma_start3A_128, %dma_start3A_129] : memref<10240x16xf32, #tpu.memory_space<vmem_shared>> -> memref<10240x16xf32, #tpu.memory_space<vmem_shared>>
      tpu.enqueue_indirect_dma source(%arg26 : memref<80x16xf32, #tpu.memory_space<vmem>>) target(%dma_start3A_130 : memref<10240x16xf32, #tpu.memory_space<vmem_shared>>) offsets(%dma_start3A_127 : memref<80xi32, #tpu.memory_space<vmem>>) semaphore(%arg25 : memref<!tpu.dma_semaphore, #tpu.memory_space<semaphore_mem>>) {add = true}
      %gt3A_131 = arith.constant 0 : i32
      %gt3A_132 = arith.cmpi sgt, %add3A_98, %gt3A_131 : i32
      %convert_element_type3A_133 = arith.extui %gt3A_132 : i1 to i32
      %cond3A_134 = arith.constant 0 : i32
      %cond3A_135 = arith.cmpi ne, %convert_element_type3A_133, %cond3A_134 : i32
      scf.if %cond3A_135 {
        %sub3A_259 = arith.constant 1 : i32
        %sub3A_260 = arith.subi %add3A_98, %sub3A_259 : i32
        %mul3A_261 = arith.constant 80 : i32
        %mul3A_262 = arith.muli %sub3A_260, %mul3A_261 : i32
        %dma_wait3A_263 = tpu.memref_slice %arg7[%mul3A_262] : memref<10000xi32, #tpu.memory_space<vmem>> -> memref<80xi32, #tpu.memory_space<vmem>>
        %dma_wait3A_264 = arith.constant 0 : i32
        %dma_wait3A_265 = arith.constant 0 : i32
        %dma_wait3A_266 = tpu.memref_slice %arg28[%dma_wait3A_264, %dma_wait3A_265] : memref<10240x16xf32, #tpu.memory_space<vmem_shared>> -> memref<10240x16xf32, #tpu.memory_space<vmem_shared>>
        tpu.wait_indirect_dma semaphore(%arg25 : memref<!tpu.dma_semaphore, #tpu.memory_space<semaphore_mem>>) src(%arg26 : memref<80x16xf32, #tpu.memory_space<vmem>>) dst(%dma_wait3A_266 : memref<10240x16xf32, #tpu.memory_space<vmem_shared>>)
      } else {
      }
      %mul3A_136 = arith.constant 5 : i32
      %mul3A_137 = arith.muli %scan3A_58, %mul3A_136 : i32
      %add3A_138 = arith.constant 2 : i32
      %add3A_139 = arith.addi %mul3A_137, %add3A_138 : i32
      %add3A_140 = arith.constant 5 : i32
      %add3A_141 = arith.addi %add3A_139, %add3A_140 : i32
      %sub3A_142 = arith.constant 1 : i32
      %sub3A_143 = arith.subi %add3A_141, %sub3A_142 : i32
      %gt3A_144 = arith.constant 0 : i32
      %gt3A_145 = arith.cmpi sgt, %add3A_139, %gt3A_144 : i32
      %convert_element_type3A_146 = arith.extui %gt3A_145 : i1 to i32
      %cond3A_147 = arith.constant 0 : i32
      %cond3A_148 = arith.cmpi ne, %convert_element_type3A_146, %cond3A_147 : i32
      scf.if %cond3A_148 {
        %sub3A_259 = arith.constant 1 : i32
        %sub3A_260 = arith.subi %add3A_139, %sub3A_259 : i32
        %mul3A_261 = arith.constant 80 : i32
        %mul3A_262 = arith.muli %sub3A_260, %mul3A_261 : i32
        %dma_wait3A_263 = tpu.memref_slice %arg7[%mul3A_262] : memref<10000xi32, #tpu.memory_space<vmem>> -> memref<80xi32, #tpu.memory_space<vmem>>
        %dma_wait3A_264 = arith.constant 0 : i32
        %dma_wait3A_265 = arith.constant 0 : i32
        %dma_wait3A_266 = tpu.memref_slice %arg14[%dma_wait3A_264, %dma_wait3A_265] : memref<10240x128xbf16, #tpu.memory_space<vmem_shared>> -> memref<10240x128xbf16, #tpu.memory_space<vmem_shared>>
        tpu.wait_indirect_dma semaphore(%arg21 : memref<!tpu.dma_semaphore, #tpu.memory_space<semaphore_mem>>) src(%arg10 : memref<80x128xbf16, #tpu.memory_space<vmem>>) dst(%dma_wait3A_266 : memref<10240x128xbf16, #tpu.memory_space<vmem_shared>>)
      } else {
      }
      %lt3A_149 = arith.constant 125 : i32
      %lt3A_150 = arith.cmpi slt, %sub3A_143, %lt3A_149 : i32
      %convert_element_type3A_151 = arith.extui %lt3A_150 : i1 to i32
      %cond3A_152 = arith.constant 0 : i32
      %cond3A_153 = arith.cmpi ne, %convert_element_type3A_151, %cond3A_152 : i32
      scf.if %cond3A_153 {
        %mul3A_259 = arith.constant 80 : i32
        %mul3A_260 = arith.muli %sub3A_143, %mul3A_259 : i32
        %dma_start3A_261 = tpu.memref_slice %arg6[%mul3A_260] : memref<10000xi32, #tpu.memory_space<vmem>> -> memref<80xi32, #tpu.memory_space<vmem>>
        %dma_start3A_262 = arith.constant 0 : i32
        %dma_start3A_263 = arith.constant 0 : i32
        %dma_start3A_264 = tpu.memref_slice %arg2[%dma_start3A_262, %dma_start3A_263] : memref<10000x128xbf16, #tpu.memory_space<hbm>> -> memref<10000x128xbf16, #tpu.memory_space<hbm>>
        tpu.enqueue_indirect_dma source(%dma_start3A_264 : memref<10000x128xbf16, #tpu.memory_space<hbm>>) target(%arg10 : memref<80x128xbf16, #tpu.memory_space<vmem>>) offsets(%dma_start3A_261 : memref<80xi32, #tpu.memory_space<vmem>>) semaphore(%arg16 : memref<!tpu.dma_semaphore, #tpu.memory_space<semaphore_mem>>)
      } else {
      }
      %mul3A_154 = arith.constant 80 : i32
      %mul3A_155 = arith.muli %add3A_139, %mul3A_154 : i32
      %dma_wait3A_156 = tpu.memref_slice %arg6[%mul3A_155] : memref<10000xi32, #tpu.memory_space<vmem>> -> memref<80xi32, #tpu.memory_space<vmem>>
      %dma_wait3A_157 = arith.constant 0 : i32
      %dma_wait3A_158 = arith.constant 0 : i32
      %dma_wait3A_159 = tpu.memref_slice %arg2[%dma_wait3A_157, %dma_wait3A_158] : memref<10000x128xbf16, #tpu.memory_space<hbm>> -> memref<10000x128xbf16, #tpu.memory_space<hbm>>
      tpu.wait_indirect_dma semaphore(%arg17 : memref<!tpu.dma_semaphore, #tpu.memory_space<semaphore_mem>>) src(%dma_wait3A_159 : memref<10000x128xbf16, #tpu.memory_space<hbm>>) dst(%arg11 : memref<80x128xbf16, #tpu.memory_space<vmem>>)
      %mul3A_160 = arith.constant 80 : i32
      %mul3A_161 = arith.muli %add3A_139, %mul3A_160 : i32
      %dma_start3A_162 = tpu.memref_slice %arg7[%mul3A_161] : memref<10000xi32, #tpu.memory_space<vmem>> -> memref<80xi32, #tpu.memory_space<vmem>>
      %dma_start3A_163 = arith.constant 0 : i32
      %dma_start3A_164 = arith.constant 0 : i32
      %dma_start3A_165 = tpu.memref_slice %arg14[%dma_start3A_163, %dma_start3A_164] : memref<10240x128xbf16, #tpu.memory_space<vmem_shared>> -> memref<10240x128xbf16, #tpu.memory_space<vmem_shared>>
      tpu.enqueue_indirect_dma source(%arg11 : memref<80x128xbf16, #tpu.memory_space<vmem>>) target(%dma_start3A_165 : memref<10240x128xbf16, #tpu.memory_space<vmem_shared>>) offsets(%dma_start3A_162 : memref<80xi32, #tpu.memory_space<vmem>>) semaphore(%arg22 : memref<!tpu.dma_semaphore, #tpu.memory_space<semaphore_mem>>) {add = true}
      %mul3A_166 = arith.constant 80 : i32
      %mul3A_167 = arith.muli %add3A_139, %mul3A_166 : i32
      %dma_start3A_168 = tpu.memref_slice %arg7[%mul3A_167] : memref<10000xi32, #tpu.memory_space<vmem>> -> memref<80xi32, #tpu.memory_space<vmem>>
      %dma_start3A_169 = arith.constant 0 : i32
      %dma_start3A_170 = arith.constant 0 : i32
      %dma_start3A_171 = tpu.memref_slice %arg28[%dma_start3A_169, %dma_start3A_170] : memref<10240x16xf32, #tpu.memory_space<vmem_shared>> -> memref<10240x16xf32, #tpu.memory_space<vmem_shared>>
      tpu.enqueue_indirect_dma source(%arg26 : memref<80x16xf32, #tpu.memory_space<vmem>>) target(%dma_start3A_171 : memref<10240x16xf32, #tpu.memory_space<vmem_shared>>) offsets(%dma_start3A_168 : memref<80xi32, #tpu.memory_space<vmem>>) semaphore(%arg25 : memref<!tpu.dma_semaphore, #tpu.memory_space<semaphore_mem>>) {add = true}
      %gt3A_172 = arith.constant 0 : i32
      %gt3A_173 = arith.cmpi sgt, %add3A_139, %gt3A_172 : i32
      %convert_element_type3A_174 = arith.extui %gt3A_173 : i1 to i32
      %cond3A_175 = arith.constant 0 : i32
      %cond3A_176 = arith.cmpi ne, %convert_element_type3A_174, %cond3A_175 : i32
      scf.if %cond3A_176 {
        %sub3A_259 = arith.constant 1 : i32
        %sub3A_260 = arith.subi %add3A_139, %sub3A_259 : i32
        %mul3A_261 = arith.constant 80 : i32
        %mul3A_262 = arith.muli %sub3A_260, %mul3A_261 : i32
        %dma_wait3A_263 = tpu.memref_slice %arg7[%mul3A_262] : memref<10000xi32, #tpu.memory_space<vmem>> -> memref<80xi32, #tpu.memory_space<vmem>>
        %dma_wait3A_264 = arith.constant 0 : i32
        %dma_wait3A_265 = arith.constant 0 : i32
        %dma_wait3A_266 = tpu.memref_slice %arg28[%dma_wait3A_264, %dma_wait3A_265] : memref<10240x16xf32, #tpu.memory_space<vmem_shared>> -> memref<10240x16xf32, #tpu.memory_space<vmem_shared>>
        tpu.wait_indirect_dma semaphore(%arg25 : memref<!tpu.dma_semaphore, #tpu.memory_space<semaphore_mem>>) src(%arg26 : memref<80x16xf32, #tpu.memory_space<vmem>>) dst(%dma_wait3A_266 : memref<10240x16xf32, #tpu.memory_space<vmem_shared>>)
      } else {
      }
      %mul3A_177 = arith.constant 5 : i32
      %mul3A_178 = arith.muli %scan3A_58, %mul3A_177 : i32
      %add3A_179 = arith.constant 3 : i32
      %add3A_180 = arith.addi %mul3A_178, %add3A_179 : i32
      %add3A_181 = arith.constant 5 : i32
      %add3A_182 = arith.addi %add3A_180, %add3A_181 : i32
      %sub3A_183 = arith.constant 1 : i32
      %sub3A_184 = arith.subi %add3A_182, %sub3A_183 : i32
      %gt3A_185 = arith.constant 0 : i32
      %gt3A_186 = arith.cmpi sgt, %add3A_180, %gt3A_185 : i32
      %convert_element_type3A_187 = arith.extui %gt3A_186 : i1 to i32
      %cond3A_188 = arith.constant 0 : i32
      %cond3A_189 = arith.cmpi ne, %convert_element_type3A_187, %cond3A_188 : i32
      scf.if %cond3A_189 {
        %sub3A_259 = arith.constant 1 : i32
        %sub3A_260 = arith.subi %add3A_180, %sub3A_259 : i32
        %mul3A_261 = arith.constant 80 : i32
        %mul3A_262 = arith.muli %sub3A_260, %mul3A_261 : i32
        %dma_wait3A_263 = tpu.memref_slice %arg7[%mul3A_262] : memref<10000xi32, #tpu.memory_space<vmem>> -> memref<80xi32, #tpu.memory_space<vmem>>
        %dma_wait3A_264 = arith.constant 0 : i32
        %dma_wait3A_265 = arith.constant 0 : i32
        %dma_wait3A_266 = tpu.memref_slice %arg14[%dma_wait3A_264, %dma_wait3A_265] : memref<10240x128xbf16, #tpu.memory_space<vmem_shared>> -> memref<10240x128xbf16, #tpu.memory_space<vmem_shared>>
        tpu.wait_indirect_dma semaphore(%arg22 : memref<!tpu.dma_semaphore, #tpu.memory_space<semaphore_mem>>) src(%arg11 : memref<80x128xbf16, #tpu.memory_space<vmem>>) dst(%dma_wait3A_266 : memref<10240x128xbf16, #tpu.memory_space<vmem_shared>>)
      } else {
      }
      %lt3A_190 = arith.constant 125 : i32
      %lt3A_191 = arith.cmpi slt, %sub3A_184, %lt3A_190 : i32
      %convert_element_type3A_192 = arith.extui %lt3A_191 : i1 to i32
      %cond3A_193 = arith.constant 0 : i32
      %cond3A_194 = arith.cmpi ne, %convert_element_type3A_192, %cond3A_193 : i32
      scf.if %cond3A_194 {
        %mul3A_259 = arith.constant 80 : i32
        %mul3A_260 = arith.muli %sub3A_184, %mul3A_259 : i32
        %dma_start3A_261 = tpu.memref_slice %arg6[%mul3A_260] : memref<10000xi32, #tpu.memory_space<vmem>> -> memref<80xi32, #tpu.memory_space<vmem>>
        %dma_start3A_262 = arith.constant 0 : i32
        %dma_start3A_263 = arith.constant 0 : i32
        %dma_start3A_264 = tpu.memref_slice %arg2[%dma_start3A_262, %dma_start3A_263] : memref<10000x128xbf16, #tpu.memory_space<hbm>> -> memref<10000x128xbf16, #tpu.memory_space<hbm>>
        tpu.enqueue_indirect_dma source(%dma_start3A_264 : memref<10000x128xbf16, #tpu.memory_space<hbm>>) target(%arg11 : memref<80x128xbf16, #tpu.memory_space<vmem>>) offsets(%dma_start3A_261 : memref<80xi32, #tpu.memory_space<vmem>>) semaphore(%arg17 : memref<!tpu.dma_semaphore, #tpu.memory_space<semaphore_mem>>)
      } else {
      }
      %mul3A_195 = arith.constant 80 : i32
      %mul3A_196 = arith.muli %add3A_180, %mul3A_195 : i32
      %dma_wait3A_197 = tpu.memref_slice %arg6[%mul3A_196] : memref<10000xi32, #tpu.memory_space<vmem>> -> memref<80xi32, #tpu.memory_space<vmem>>
      %dma_wait3A_198 = arith.constant 0 : i32
      %dma_wait3A_199 = arith.constant 0 : i32
      %dma_wait3A_200 = tpu.memref_slice %arg2[%dma_wait3A_198, %dma_wait3A_199] : memref<10000x128xbf16, #tpu.memory_space<hbm>> -> memref<10000x128xbf16, #tpu.memory_space<hbm>>
      tpu.wait_indirect_dma semaphore(%arg18 : memref<!tpu.dma_semaphore, #tpu.memory_space<semaphore_mem>>) src(%dma_wait3A_200 : memref<10000x128xbf16, #tpu.memory_space<hbm>>) dst(%arg12 : memref<80x128xbf16, #tpu.memory_space<vmem>>)
      %mul3A_201 = arith.constant 80 : i32
      %mul3A_202 = arith.muli %add3A_180, %mul3A_201 : i32
      %dma_start3A_203 = tpu.memref_slice %arg7[%mul3A_202] : memref<10000xi32, #tpu.memory_space<vmem>> -> memref<80xi32, #tpu.memory_space<vmem>>
      %dma_start3A_204 = arith.constant 0 : i32
      %dma_start3A_205 = arith.constant 0 : i32
      %dma_start3A_206 = tpu.memref_slice %arg14[%dma_start3A_204, %dma_start3A_205] : memref<10240x128xbf16, #tpu.memory_space<vmem_shared>> -> memref<10240x128xbf16, #tpu.memory_space<vmem_shared>>
      tpu.enqueue_indirect_dma source(%arg12 : memref<80x128xbf16, #tpu.memory_space<vmem>>) target(%dma_start3A_206 : memref<10240x128xbf16, #tpu.memory_space<vmem_shared>>) offsets(%dma_start3A_203 : memref<80xi32, #tpu.memory_space<vmem>>) semaphore(%arg23 : memref<!tpu.dma_semaphore, #tpu.memory_space<semaphore_mem>>) {add = true}
      %mul3A_207 = arith.constant 80 : i32
      %mul3A_208 = arith.muli %add3A_180, %mul3A_207 : i32
      %dma_start3A_209 = tpu.memref_slice %arg7[%mul3A_208] : memref<10000xi32, #tpu.memory_space<vmem>> -> memref<80xi32, #tpu.memory_space<vmem>>
      %dma_start3A_210 = arith.constant 0 : i32
      %dma_start3A_211 = arith.constant 0 : i32
      %dma_start3A_212 = tpu.memref_slice %arg28[%dma_start3A_210, %dma_start3A_211] : memref<10240x16xf32, #tpu.memory_space<vmem_shared>> -> memref<10240x16xf32, #tpu.memory_space<vmem_shared>>
      tpu.enqueue_indirect_dma source(%arg26 : memref<80x16xf32, #tpu.memory_space<vmem>>) target(%dma_start3A_212 : memref<10240x16xf32, #tpu.memory_space<vmem_shared>>) offsets(%dma_start3A_209 : memref<80xi32, #tpu.memory_space<vmem>>) semaphore(%arg25 : memref<!tpu.dma_semaphore, #tpu.memory_space<semaphore_mem>>) {add = true}
      %gt3A_213 = arith.constant 0 : i32
      %gt3A_214 = arith.cmpi sgt, %add3A_180, %gt3A_213 : i32
      %convert_element_type3A_215 = arith.extui %gt3A_214 : i1 to i32
      %cond3A_216 = arith.constant 0 : i32
      %cond3A_217 = arith.cmpi ne, %convert_element_type3A_215, %cond3A_216 : i32
      scf.if %cond3A_217 {
        %sub3A_259 = arith.constant 1 : i32
        %sub3A_260 = arith.subi %add3A_180, %sub3A_259 : i32
        %mul3A_261 = arith.constant 80 : i32
        %mul3A_262 = arith.muli %sub3A_260, %mul3A_261 : i32
        %dma_wait3A_263 = tpu.memref_slice %arg7[%mul3A_262] : memref<10000xi32, #tpu.memory_space<vmem>> -> memref<80xi32, #tpu.memory_space<vmem>>
        %dma_wait3A_264 = arith.constant 0 : i32
        %dma_wait3A_265 = arith.constant 0 : i32
        %dma_wait3A_266 = tpu.memref_slice %arg28[%dma_wait3A_264, %dma_wait3A_265] : memref<10240x16xf32, #tpu.memory_space<vmem_shared>> -> memref<10240x16xf32, #tpu.memory_space<vmem_shared>>
        tpu.wait_indirect_dma semaphore(%arg25 : memref<!tpu.dma_semaphore, #tpu.memory_space<semaphore_mem>>) src(%arg26 : memref<80x16xf32, #tpu.memory_space<vmem>>) dst(%dma_wait3A_266 : memref<10240x16xf32, #tpu.memory_space<vmem_shared>>)
      } else {
      }
      %mul3A_218 = arith.constant 5 : i32
      %mul3A_219 = arith.muli %scan3A_58, %mul3A_218 : i32
      %add3A_220 = arith.constant 4 : i32
      %add3A_221 = arith.addi %mul3A_219, %add3A_220 : i32
      %add3A_222 = arith.constant 5 : i32
      %add3A_223 = arith.addi %add3A_221, %add3A_222 : i32
      %sub3A_224 = arith.constant 1 : i32
      %sub3A_225 = arith.subi %add3A_223, %sub3A_224 : i32
      %gt3A_226 = arith.constant 0 : i32
      %gt3A_227 = arith.cmpi sgt, %add3A_221, %gt3A_226 : i32
      %convert_element_type3A_228 = arith.extui %gt3A_227 : i1 to i32
      %cond3A_229 = arith.constant 0 : i32
      %cond3A_230 = arith.cmpi ne, %convert_element_type3A_228, %cond3A_229 : i32
      scf.if %cond3A_230 {
        %sub3A_259 = arith.constant 1 : i32
        %sub3A_260 = arith.subi %add3A_221, %sub3A_259 : i32
        %mul3A_261 = arith.constant 80 : i32
        %mul3A_262 = arith.muli %sub3A_260, %mul3A_261 : i32
        %dma_wait3A_263 = tpu.memref_slice %arg7[%mul3A_262] : memref<10000xi32, #tpu.memory_space<vmem>> -> memref<80xi32, #tpu.memory_space<vmem>>
        %dma_wait3A_264 = arith.constant 0 : i32
        %dma_wait3A_265 = arith.constant 0 : i32
        %dma_wait3A_266 = tpu.memref_slice %arg14[%dma_wait3A_264, %dma_wait3A_265] : memref<10240x128xbf16, #tpu.memory_space<vmem_shared>> -> memref<10240x128xbf16, #tpu.memory_space<vmem_shared>>
        tpu.wait_indirect_dma semaphore(%arg23 : memref<!tpu.dma_semaphore, #tpu.memory_space<semaphore_mem>>) src(%arg12 : memref<80x128xbf16, #tpu.memory_space<vmem>>) dst(%dma_wait3A_266 : memref<10240x128xbf16, #tpu.memory_space<vmem_shared>>)
      } else {
      }
      %lt3A_231 = arith.constant 125 : i32
      %lt3A_232 = arith.cmpi slt, %sub3A_225, %lt3A_231 : i32
      %convert_element_type3A_233 = arith.extui %lt3A_232 : i1 to i32
      %cond3A_234 = arith.constant 0 : i32
      %cond3A_235 = arith.cmpi ne, %convert_element_type3A_233, %cond3A_234 : i32
      scf.if %cond3A_235 {
        %mul3A_259 = arith.constant 80 : i32
        %mul3A_260 = arith.muli %sub3A_225, %mul3A_259 : i32
        %dma_start3A_261 = tpu.memref_slice %arg6[%mul3A_260] : memref<10000xi32, #tpu.memory_space<vmem>> -> memref<80xi32, #tpu.memory_space<vmem>>
        %dma_start3A_262 = arith.constant 0 : i32
        %dma_start3A_263 = arith.constant 0 : i32
        %dma_start3A_264 = tpu.memref_slice %arg2[%dma_start3A_262, %dma_start3A_263] : memref<10000x128xbf16, #tpu.memory_space<hbm>> -> memref<10000x128xbf16, #tpu.memory_space<hbm>>
        tpu.enqueue_indirect_dma source(%dma_start3A_264 : memref<10000x128xbf16, #tpu.memory_space<hbm>>) target(%arg12 : memref<80x128xbf16, #tpu.memory_space<vmem>>) offsets(%dma_start3A_261 : memref<80xi32, #tpu.memory_space<vmem>>) semaphore(%arg18 : memref<!tpu.dma_semaphore, #tpu.memory_space<semaphore_mem>>)
      } else {
      }
      %mul3A_236 = arith.constant 80 : i32
      %mul3A_237 = arith.muli %add3A_221, %mul3A_236 : i32
      %dma_wait3A_238 = tpu.memref_slice %arg6[%mul3A_237] : memref<10000xi32, #tpu.memory_space<vmem>> -> memref<80xi32, #tpu.memory_space<vmem>>
      %dma_wait3A_239 = arith.constant 0 : i32
      %dma_wait3A_240 = arith.constant 0 : i32
      %dma_wait3A_241 = tpu.memref_slice %arg2[%dma_wait3A_239, %dma_wait3A_240] : memref<10000x128xbf16, #tpu.memory_space<hbm>> -> memref<10000x128xbf16, #tpu.memory_space<hbm>>
      tpu.wait_indirect_dma semaphore(%arg19 : memref<!tpu.dma_semaphore, #tpu.memory_space<semaphore_mem>>) src(%dma_wait3A_241 : memref<10000x128xbf16, #tpu.memory_space<hbm>>) dst(%arg13 : memref<80x128xbf16, #tpu.memory_space<vmem>>)
      %mul3A_242 = arith.constant 80 : i32
      %mul3A_243 = arith.muli %add3A_221, %mul3A_242 : i32
      %dma_start3A_244 = tpu.memref_slice %arg7[%mul3A_243] : memref<10000xi32, #tpu.memory_space<vmem>> -> memref<80xi32, #tpu.memory_space<vmem>>
      %dma_start3A_245 = arith.constant 0 : i32
      %dma_start3A_246 = arith.constant 0 : i32
      %dma_start3A_247 = tpu.memref_slice %arg14[%dma_start3A_245, %dma_start3A_246] : memref<10240x128xbf16, #tpu.memory_space<vmem_shared>> -> memref<10240x128xbf16, #tpu.memory_space<vmem_shared>>
      tpu.enqueue_indirect_dma source(%arg13 : memref<80x128xbf16, #tpu.memory_space<vmem>>) target(%dma_start3A_247 : memref<10240x128xbf16, #tpu.memory_space<vmem_shared>>) offsets(%dma_start3A_244 : memref<80xi32, #tpu.memory_space<vmem>>) semaphore(%arg24 : memref<!tpu.dma_semaphore, #tpu.memory_space<semaphore_mem>>) {add = true}
      %mul3A_248 = arith.constant 80 : i32
      %mul3A_249 = arith.muli %add3A_221, %mul3A_248 : i32
      %dma_start3A_250 = tpu.memref_slice %arg7[%mul3A_249] : memref<10000xi32, #tpu.memory_space<vmem>> -> memref<80xi32, #tpu.memory_space<vmem>>
      %dma_start3A_251 = arith.constant 0 : i32
      %dma_start3A_252 = arith.constant 0 : i32
      %dma_start3A_253 = tpu.memref_slice %arg28[%dma_start3A_251, %dma_start3A_252] : memref<10240x16xf32, #tpu.memory_space<vmem_shared>> -> memref<10240x16xf32, #tpu.memory_space<vmem_shared>>
      tpu.enqueue_indirect_dma source(%arg26 : memref<80x16xf32, #tpu.memory_space<vmem>>) target(%dma_start3A_253 : memref<10240x16xf32, #tpu.memory_space<vmem_shared>>) offsets(%dma_start3A_250 : memref<80xi32, #tpu.memory_space<vmem>>) semaphore(%arg25 : memref<!tpu.dma_semaphore, #tpu.memory_space<semaphore_mem>>) {add = true}
      %gt3A_254 = arith.constant 0 : i32
      %gt3A_255 = arith.cmpi sgt, %add3A_221, %gt3A_254 : i32
      %convert_element_type3A_256 = arith.extui %gt3A_255 : i1 to i32
      %cond3A_257 = arith.constant 0 : i32
      %cond3A_258 = arith.cmpi ne, %convert_element_type3A_256, %cond3A_257 : i32
      scf.if %cond3A_258 {
        %sub3A_259 = arith.constant 1 : i32
        %sub3A_260 = arith.subi %add3A_221, %sub3A_259 : i32
        %mul3A_261 = arith.constant 80 : i32
        %mul3A_262 = arith.muli %sub3A_260, %mul3A_261 : i32
        %dma_wait3A_263 = tpu.memref_slice %arg7[%mul3A_262] : memref<10000xi32, #tpu.memory_space<vmem>> -> memref<80xi32, #tpu.memory_space<vmem>>
        %dma_wait3A_264 = arith.constant 0 : i32
        %dma_wait3A_265 = arith.constant 0 : i32
        %dma_wait3A_266 = tpu.memref_slice %arg28[%dma_wait3A_264, %dma_wait3A_265] : memref<10240x16xf32, #tpu.memory_space<vmem_shared>> -> memref<10240x16xf32, #tpu.memory_space<vmem_shared>>
        tpu.wait_indirect_dma semaphore(%arg25 : memref<!tpu.dma_semaphore, #tpu.memory_space<semaphore_mem>>) src(%arg26 : memref<80x16xf32, #tpu.memory_space<vmem>>) dst(%dma_wait3A_266 : memref<10240x16xf32, #tpu.memory_space<vmem_shared>>)
      } else {
      }
    }
    %scan3A_43 = arith.constant 25 : i32
    %dma_wait3A = arith.constant 9920 : i32
    %dma_wait3A_44 = tpu.memref_slice %arg7[%dma_wait3A] : memref<10000xi32, #tpu.memory_space<vmem>> -> memref<80xi32, #tpu.memory_space<vmem>>
    %dma_wait3A_45 = arith.constant 0 : i32
    %dma_wait3A_46 = arith.constant 0 : i32
    %dma_wait3A_47 = tpu.memref_slice %arg14[%dma_wait3A_45, %dma_wait3A_46] : memref<10240x128xbf16, #tpu.memory_space<vmem_shared>> -> memref<10240x128xbf16, #tpu.memory_space<vmem_shared>>
    tpu.wait_indirect_dma semaphore(%arg24 : memref<!tpu.dma_semaphore, #tpu.memory_space<semaphore_mem>>) src(%arg13 : memref<80x128xbf16, #tpu.memory_space<vmem>>) dst(%dma_wait3A_47 : memref<10240x128xbf16, #tpu.memory_space<vmem_shared>>)
    %dma_wait3A_48 = arith.constant 9920 : i32
    %dma_wait3A_49 = tpu.memref_slice %arg7[%dma_wait3A_48] : memref<10000xi32, #tpu.memory_space<vmem>> -> memref<80xi32, #tpu.memory_space<vmem>>
    %dma_wait3A_50 = arith.constant 0 : i32
    %dma_wait3A_51 = arith.constant 0 : i32
    %dma_wait3A_52 = tpu.memref_slice %arg28[%dma_wait3A_50, %dma_wait3A_51] : memref<10240x16xf32, #tpu.memory_space<vmem_shared>> -> memref<10240x16xf32, #tpu.memory_space<vmem_shared>>
    tpu.wait_indirect_dma semaphore(%arg25 : memref<!tpu.dma_semaphore, #tpu.memory_space<semaphore_mem>>) src(%arg26 : memref<80x16xf32, #tpu.memory_space<vmem>>) dst(%dma_wait3A_52 : memref<10240x16xf32, #tpu.memory_space<vmem_shared>>)
    %barrier3A_53 = arith.constant 0 : index
    tpu.barrier barrier_id(%barrier3A_53)
    %mul3A_54 = arith.constant 128 : i32
    %mul3A_55 = arith.muli %arg0, %mul3A_54 : i32
    "tpu.region"() ({
      %run_scoped3A_58 = tpu.sem_alloc : memref<!tpu.dma_semaphore, #tpu.memory_space<semaphore_mem>>
      %dma_start3A_59 = tpu.memref_slice %arg4[%mul3A_2, %mul3A_55] : memref<10240x256xbf16, #tpu.memory_space<hbm>> -> memref<640x128xbf16, #tpu.memory_space<hbm>>
      %dma_start3A_60 = arith.constant 0 : i32
      %dma_start3A_61 = tpu.memref_slice %arg14[%mul3A_2, %dma_start3A_60] : memref<10240x128xbf16, #tpu.memory_space<vmem_shared>> -> memref<640x128xbf16, #tpu.memory_space<vmem_shared>>
      tpu.enqueue_dma source(%dma_start3A_61 : memref<640x128xbf16, #tpu.memory_space<vmem_shared>>) target(%dma_start3A_59 : memref<640x128xbf16, #tpu.memory_space<hbm>>) target_semaphore(%run_scoped3A_58 : memref<!tpu.dma_semaphore, #tpu.memory_space<semaphore_mem>>)
      %dma_wait3A_62 = tpu.memref_slice %arg4[%mul3A_2, %mul3A_55] : memref<10240x256xbf16, #tpu.memory_space<hbm>> -> memref<640x128xbf16, #tpu.memory_space<hbm>>
      %dma_wait3A_63 = arith.constant 0 : i32
      %dma_wait3A_64 = tpu.memref_slice %arg14[%mul3A_2, %dma_wait3A_63] : memref<10240x128xbf16, #tpu.memory_space<vmem_shared>> -> memref<640x128xbf16, #tpu.memory_space<vmem_shared>>
      tpu.wait_dma2 semaphore(%run_scoped3A_58 : memref<!tpu.dma_semaphore, #tpu.memory_space<semaphore_mem>>) src(%dma_wait3A_64 : memref<640x128xbf16, #tpu.memory_space<vmem_shared>>) dst(%dma_wait3A_62 : memref<640x128xbf16, #tpu.memory_space<hbm>>)
      tpu.yield
    }) : () -> ()
    %mul3A_56 = arith.constant 16 : i32
    %mul3A_57 = arith.muli %arg0, %mul3A_56 : i32
    "tpu.region"() ({
      %run_scoped3A_58 = tpu.sem_alloc : memref<!tpu.dma_semaphore, #tpu.memory_space<semaphore_mem>>
      %dma_start3A_59 = tpu.memref_slice %arg5[%mul3A_2, %mul3A_57] : memref<10240x32xf32, #tpu.memory_space<hbm>> -> memref<640x16xf32, #tpu.memory_space<hbm>>
      %dma_start3A_60 = arith.constant 0 : i32
      %dma_start3A_61 = tpu.memref_slice %arg28[%mul3A_2, %dma_start3A_60] : memref<10240x16xf32, #tpu.memory_space<vmem_shared>> -> memref<640x16xf32, #tpu.memory_space<vmem_shared>>
      tpu.enqueue_dma source(%dma_start3A_61 : memref<640x16xf32, #tpu.memory_space<vmem_shared>>) target(%dma_start3A_59 : memref<640x16xf32, #tpu.memory_space<hbm>>) target_semaphore(%run_scoped3A_58 : memref<!tpu.dma_semaphore, #tpu.memory_space<semaphore_mem>>)
      %dma_wait3A_62 = tpu.memref_slice %arg5[%mul3A_2, %mul3A_57] : memref<10240x32xf32, #tpu.memory_space<hbm>> -> memref<640x16xf32, #tpu.memory_space<hbm>>
      %dma_wait3A_63 = arith.constant 0 : i32
      %dma_wait3A_64 = tpu.memref_slice %arg28[%mul3A_2, %dma_wait3A_63] : memref<10240x16xf32, #tpu.memory_space<vmem_shared>> -> memref<640x16xf32, #tpu.memory_space<vmem_shared>>
      tpu.wait_dma2 semaphore(%run_scoped3A_58 : memref<!tpu.dma_semaphore, #tpu.memory_space<semaphore_mem>>) src(%dma_wait3A_64 : memref<640x16xf32, #tpu.memory_space<vmem_shared>>) dst(%dma_wait3A_62 : memref<640x16xf32, #tpu.memory_space<hbm>>)
      tpu.yield
    }) : () -> ()
    return
  }
}

module attributes {stable_mosaic.version = 14 : i64} {
  func.func @_tc1_body(%arg0: i32, %arg1: memref<2000x128xf32, #tpu.memory_space<vmem>>, %arg2: memref<2000x256xbf16, #tpu.memory_space<vmem>>, %arg3: memref<2000x32xf32, #tpu.memory_space<vmem>>, %arg4: memref<128x128xf32, #tpu.memory_space<vmem>>, %arg5: memref<128x128xf32, #tpu.memory_space<vmem>>, %arg6: memref<1x128xf32, #tpu.memory_space<vmem>>, %arg7: memref<2000x128xbf16, #tpu.memory_space<vmem>>) attributes {dimension_semantics = [#tpu.dimension_semantics<arbitrary>], iteration_bounds = array<i64: 5>, scalar_prefetch = 0 : i64, scratch_operands = 0 : i64, tpu.core_type = #tpu.core_type<tc>, window_params = [{transform_indices = @transform_0, window_bounds = array<i64: 2000, 128>}, {transform_indices = @transform_1, window_bounds = array<i64: 2000, 256>}, {transform_indices = @transform_2, window_bounds = array<i64: 2000, 32>}, {pipeline_mode = #tpu.pipeline_mode<synchronous>, transform_indices = @transform_3, window_bounds = array<i64: 128, 128>}, {pipeline_mode = #tpu.pipeline_mode<synchronous>, transform_indices = @transform_4, window_bounds = array<i64: 128, 128>}, {pipeline_mode = #tpu.pipeline_mode<synchronous>, transform_indices = @transform_5, window_bounds = array<i64: 1, 128>}, {transform_indices = @transform_6, window_bounds = array<i64: 2000, 128>}]} {
    %get3A = arith.constant 0 : index
    %get3A_0 = arith.constant 0 : index
    %get3A_1 = vector.load %arg3[%get3A, %get3A_0] : memref<2000x32xf32, #tpu.memory_space<vmem>>, vector<2000x1xf32>
    %get3A_2 = arith.constant 0 : index
    %get3A_3 = arith.constant 16 : index
    %get3A_4 = vector.load %arg3[%get3A_2, %get3A_3] : memref<2000x32xf32, #tpu.memory_space<vmem>>, vector<2000x1xf32>
    %add3A = arith.addf %get3A_1, %get3A_4 : vector<2000x1xf32>
    %get3A_5 = arith.constant 0 : index
    %get3A_6 = arith.constant 0 : index
    %get3A_7 = vector.load %arg2[%get3A_5, %get3A_6] : memref<2000x256xbf16, #tpu.memory_space<vmem>>, vector<2000x128xbf16>
    %convert_element_type3A = arith.extf %get3A_7 : vector<2000x128xbf16> to vector<2000x128xf32>
    %get3A_8 = arith.constant 0 : index
    %get3A_9 = arith.constant 128 : index
    %get3A_10 = vector.load %arg2[%get3A_8, %get3A_9] : memref<2000x256xbf16, #tpu.memory_space<vmem>>, vector<2000x128xbf16>
    %convert_element_type3A_11 = arith.extf %get3A_10 : vector<2000x128xbf16> to vector<2000x128xf32>
    %add3A_12 = arith.addf %convert_element_type3A, %convert_element_type3A_11 : vector<2000x128xf32>
    %gt3A = arith.constant 0.000000e+00 : f32
    %gt3A_13 = vector.broadcast %gt3A : f32 to vector<2000x1xf32>
    %gt3A_14 = arith.cmpf ogt, %add3A, %gt3A_13 : vector<2000x1xf32>
    %max3A = arith.constant 1.000000e+00 : f32
    %max3A_15 = vector.broadcast %max3A : f32 to vector<2000x1xf32>
    %max3A_16 = arith.maximumf %add3A, %max3A_15 : vector<2000x1xf32>
    %div3A = arith.constant 1.000000e+00 : f32
    %div3A_17 = vector.broadcast %div3A : f32 to vector<2000x1xf32>
    %div3A_18 = arith.divf %div3A_17, %max3A_16 : vector<2000x1xf32>
    %jit3A = arith.constant 0.000000e+00 : f32
    %broadcast_in_dim3A = vector.broadcast %jit3A : f32 to vector<2000x1xf32>
    %select_n3A = arith.select %gt3A_14, %div3A_18, %broadcast_in_dim3A : vector<2000x1xi1>, vector<2000x1xf32>
    %get3A_19 = arith.constant 0 : index
    %get3A_20 = arith.constant 0 : index
    %get3A_21 = vector.load %arg1[%get3A_19, %get3A_20] : memref<2000x128xf32, #tpu.memory_space<vmem>>, vector<2000x128xf32>
    %get3A_22 = arith.constant 0 : index
    %get3A_23 = arith.constant 0 : index
    %get3A_24 = vector.load %arg4[%get3A_22, %get3A_23] : memref<128x128xf32, #tpu.memory_space<vmem>>, vector<128x128xf32>
    %dot_general3A = arith.constant dense<0.000000e+00> : vector<2000x128xf32>
    %dot_general3A_25 = tpu.matmul %get3A_21, %get3A_24, %dot_general3A {dimension_numbers = #tpu.dot_dimension_numbers<[1], [0], [0], [1], [0, 0, 1, 1], [], []>, transpose_lhs_hint = false} : vector<2000x128xf32>, vector<128x128xf32>, vector<2000x128xf32> -> vector<2000x128xf32>
    %mul3A = vector.broadcast %select_n3A : vector<2000x1xf32> to vector<2000x128xf32>
    %mul3A_26 = arith.mulf %add3A_12, %mul3A : vector<2000x128xf32>
    %get3A_27 = arith.constant 0 : index
    %get3A_28 = arith.constant 0 : index
    %get3A_29 = vector.load %arg5[%get3A_27, %get3A_28] : memref<128x128xf32, #tpu.memory_space<vmem>>, vector<128x128xf32>
    %dot_general3A_30 = arith.constant dense<0.000000e+00> : vector<2000x128xf32>
    %dot_general3A_31 = tpu.matmul %mul3A_26, %get3A_29, %dot_general3A_30 {dimension_numbers = #tpu.dot_dimension_numbers<[1], [0], [0], [1], [0, 0, 1, 1], [], []>, transpose_lhs_hint = false} : vector<2000x128xf32>, vector<128x128xf32>, vector<2000x128xf32> -> vector<2000x128xf32>
    %gt3A_32 = arith.constant 0.000000e+00 : f32
    %gt3A_33 = vector.broadcast %gt3A_32 : f32 to vector<2000x1xf32>
    %gt3A_34 = arith.cmpf ogt, %add3A, %gt3A_33 : vector<2000x1xf32>
    %get3A_35 = arith.constant 0 : index
    %get3A_36 = arith.constant 0 : index
    %get3A_37 = vector.load %arg6[%get3A_35, %get3A_36] : memref<1x128xf32, #tpu.memory_space<vmem>>, vector<1x128xf32>
    %add3A_38 = vector.broadcast %get3A_37 : vector<1x128xf32> to vector<2000x128xf32>
    %add3A_39 = arith.addf %dot_general3A_25, %add3A_38 : vector<2000x128xf32>
    %add3A_40 = arith.addf %add3A_39, %dot_general3A_31 : vector<2000x128xf32>
    %jit3A_41 = arith.constant 0.000000e+00 : f32
    %broadcast_in_dim3A_42 = vector.shape_cast %gt3A_34 : vector<2000x1xi1> to vector<2000x1xi1>
    %broadcast_in_dim3A_43 = vector.broadcast %broadcast_in_dim3A_42 : vector<2000x1xi1> to vector<2000x128xi1>
    %broadcast_in_dim3A_44 = vector.broadcast %jit3A_41 : f32 to vector<2000x128xf32>
    %select_n3A_45 = arith.select %broadcast_in_dim3A_43, %add3A_40, %broadcast_in_dim3A_44 : vector<2000x128xi1>, vector<2000x128xf32>
    %convert_element_type3A_46 = arith.truncf %select_n3A_45 : vector<2000x128xf32> to vector<2000x128xbf16>
    %swap3A = arith.constant 0 : index
    %swap3A_47 = arith.constant 0 : index
    %swap3A_48 = vector.load %arg7[%swap3A, %swap3A_47] : memref<2000x128xbf16, #tpu.memory_space<vmem>>, vector<2000x128xbf16>
    tpu.vector_store %arg7[%swap3A, %swap3A_47], %convert_element_type3A_46 {strides = array<i32>} : memref<2000x128xbf16, #tpu.memory_space<vmem>>, vector<2000x128xbf16>,
    return
  }
  func.func @transform_0(%arg0: i32) -> (i32, i32) {
    %c0_i32 = arith.constant 0 : i32
    %c0_i32_0 = arith.constant 0 : i32
    return %arg0, %c0_i32 : i32, i32
  }
  func.func @transform_1(%arg0: i32) -> (i32, i32) {
    %c0_i32 = arith.constant 0 : i32
    %c0_i32_0 = arith.constant 0 : i32
    return %arg0, %c0_i32 : i32, i32
  }
  func.func @transform_2(%arg0: i32) -> (i32, i32) {
    %c0_i32 = arith.constant 0 : i32
    %c0_i32_0 = arith.constant 0 : i32
    return %arg0, %c0_i32 : i32, i32
  }
  func.func @transform_3(%arg0: i32) -> (i32, i32) {
    %c0_i32 = arith.constant 0 : i32
    %c0_i32_0 = arith.constant 0 : i32
    %c0_i32_1 = arith.constant 0 : i32
    return %c0_i32, %c0_i32_0 : i32, i32
  }
  func.func @transform_4(%arg0: i32) -> (i32, i32) {
    %c0_i32 = arith.constant 0 : i32
    %c0_i32_0 = arith.constant 0 : i32
    %c0_i32_1 = arith.constant 0 : i32
    return %c0_i32, %c0_i32_0 : i32, i32
  }
  func.func @transform_5(%arg0: i32) -> (i32, i32) {
    %c0_i32 = arith.constant 0 : i32
    %c0_i32_0 = arith.constant 0 : i32
    %c0_i32_1 = arith.constant 0 : i32
    return %c0_i32, %c0_i32_0 : i32, i32
  }
  func.func @transform_6(%arg0: i32) -> (i32, i32) {
    %c0_i32 = arith.constant 0 : i32
    %c0_i32_0 = arith.constant 0 : i32
    return %arg0, %c0_i32 : i32, i32
  }
}

module attributes {stable_mosaic.version = 14 : i64} {
  func.func @_tc2_body(%arg0: i32, %arg1: memref<2000x128xbf16, #tpu.memory_space<vmem>>, %arg2: memref<2000x256xbf16, #tpu.memory_space<vmem>>, %arg3: memref<2000x32xf32, #tpu.memory_space<vmem>>, %arg4: memref<2000x128xf32, #tpu.memory_space<vmem>>, %arg5: memref<128x128xf32, #tpu.memory_space<vmem>>, %arg6: memref<128x128xf32, #tpu.memory_space<vmem>>, %arg7: memref<1x128xf32, #tpu.memory_space<vmem>>, %arg8: memref<2000x128xf32, #tpu.memory_space<vmem>>) attributes {dimension_semantics = [#tpu.dimension_semantics<arbitrary>], iteration_bounds = array<i64: 5>, scalar_prefetch = 0 : i64, scratch_operands = 0 : i64, tpu.core_type = #tpu.core_type<tc>, window_params = [{transform_indices = @transform_0, window_bounds = array<i64: 2000, 128>}, {transform_indices = @transform_1, window_bounds = array<i64: 2000, 256>}, {transform_indices = @transform_2, window_bounds = array<i64: 2000, 32>}, {transform_indices = @transform_3, window_bounds = array<i64: 2000, 128>}, {pipeline_mode = #tpu.pipeline_mode<synchronous>, transform_indices = @transform_4, window_bounds = array<i64: 128, 128>}, {pipeline_mode = #tpu.pipeline_mode<synchronous>, transform_indices = @transform_5, window_bounds = array<i64: 128, 128>}, {pipeline_mode = #tpu.pipeline_mode<synchronous>, transform_indices = @transform_6, window_bounds = array<i64: 1, 128>}, {transform_indices = @transform_7, window_bounds = array<i64: 2000, 128>}]} {
    %get3A = arith.constant 0 : index
    %get3A_0 = arith.constant 0 : index
    %get3A_1 = vector.load %arg3[%get3A, %get3A_0] : memref<2000x32xf32, #tpu.memory_space<vmem>>, vector<2000x1xf32>
    %get3A_2 = arith.constant 0 : index
    %get3A_3 = arith.constant 16 : index
    %get3A_4 = vector.load %arg3[%get3A_2, %get3A_3] : memref<2000x32xf32, #tpu.memory_space<vmem>>, vector<2000x1xf32>
    %add3A = arith.addf %get3A_1, %get3A_4 : vector<2000x1xf32>
    %get3A_5 = arith.constant 0 : index
    %get3A_6 = arith.constant 0 : index
    %get3A_7 = vector.load %arg2[%get3A_5, %get3A_6] : memref<2000x256xbf16, #tpu.memory_space<vmem>>, vector<2000x128xbf16>
    %convert_element_type3A = arith.extf %get3A_7 : vector<2000x128xbf16> to vector<2000x128xf32>
    %get3A_8 = arith.constant 0 : index
    %get3A_9 = arith.constant 128 : index
    %get3A_10 = vector.load %arg2[%get3A_8, %get3A_9] : memref<2000x256xbf16, #tpu.memory_space<vmem>>, vector<2000x128xbf16>
    %convert_element_type3A_11 = arith.extf %get3A_10 : vector<2000x128xbf16> to vector<2000x128xf32>
    %add3A_12 = arith.addf %convert_element_type3A, %convert_element_type3A_11 : vector<2000x128xf32>
    %gt3A = arith.constant 0.000000e+00 : f32
    %gt3A_13 = vector.broadcast %gt3A : f32 to vector<2000x1xf32>
    %gt3A_14 = arith.cmpf ogt, %add3A, %gt3A_13 : vector<2000x1xf32>
    %max3A = arith.constant 1.000000e+00 : f32
    %max3A_15 = vector.broadcast %max3A : f32 to vector<2000x1xf32>
    %max3A_16 = arith.maximumf %add3A, %max3A_15 : vector<2000x1xf32>
    %div3A = arith.constant 1.000000e+00 : f32
    %div3A_17 = vector.broadcast %div3A : f32 to vector<2000x1xf32>
    %div3A_18 = arith.divf %div3A_17, %max3A_16 : vector<2000x1xf32>
    %jit3A = arith.constant 0.000000e+00 : f32
    %broadcast_in_dim3A = vector.broadcast %jit3A : f32 to vector<2000x1xf32>
    %select_n3A = arith.select %gt3A_14, %div3A_18, %broadcast_in_dim3A : vector<2000x1xi1>, vector<2000x1xf32>
    %get3A_19 = arith.constant 0 : index
    %get3A_20 = arith.constant 0 : index
    %get3A_21 = vector.load %arg1[%get3A_19, %get3A_20] : memref<2000x128xbf16, #tpu.memory_space<vmem>>, vector<2000x128xbf16>
    %convert_element_type3A_22 = arith.extf %get3A_21 : vector<2000x128xbf16> to vector<2000x128xf32>
    %get3A_23 = arith.constant 0 : index
    %get3A_24 = arith.constant 0 : index
    %get3A_25 = vector.load %arg5[%get3A_23, %get3A_24] : memref<128x128xf32, #tpu.memory_space<vmem>>, vector<128x128xf32>
    %dot_general3A = arith.constant dense<0.000000e+00> : vector<2000x128xf32>
    %dot_general3A_26 = tpu.matmul %convert_element_type3A_22, %get3A_25, %dot_general3A {dimension_numbers = #tpu.dot_dimension_numbers<[1], [0], [0], [1], [0, 0, 1, 1], [], []>, transpose_lhs_hint = false} : vector<2000x128xf32>, vector<128x128xf32>, vector<2000x128xf32> -> vector<2000x128xf32>
    %mul3A = vector.broadcast %select_n3A : vector<2000x1xf32> to vector<2000x128xf32>
    %mul3A_27 = arith.mulf %add3A_12, %mul3A : vector<2000x128xf32>
    %get3A_28 = arith.constant 0 : index
    %get3A_29 = arith.constant 0 : index
    %get3A_30 = vector.load %arg6[%get3A_28, %get3A_29] : memref<128x128xf32, #tpu.memory_space<vmem>>, vector<128x128xf32>
    %dot_general3A_31 = arith.constant dense<0.000000e+00> : vector<2000x128xf32>
    %dot_general3A_32 = tpu.matmul %mul3A_27, %get3A_30, %dot_general3A_31 {dimension_numbers = #tpu.dot_dimension_numbers<[1], [0], [0], [1], [0, 0, 1, 1], [], []>, transpose_lhs_hint = false} : vector<2000x128xf32>, vector<128x128xf32>, vector<2000x128xf32> -> vector<2000x128xf32>
    %gt3A_33 = arith.constant 0.000000e+00 : f32
    %gt3A_34 = vector.broadcast %gt3A_33 : f32 to vector<2000x1xf32>
    %gt3A_35 = arith.cmpf ogt, %add3A, %gt3A_34 : vector<2000x1xf32>
    %get3A_36 = arith.constant 0 : index
    %get3A_37 = arith.constant 0 : index
    %get3A_38 = vector.load %arg7[%get3A_36, %get3A_37] : memref<1x128xf32, #tpu.memory_space<vmem>>, vector<1x128xf32>
    %add3A_39 = vector.broadcast %get3A_38 : vector<1x128xf32> to vector<2000x128xf32>
    %add3A_40 = arith.addf %dot_general3A_26, %add3A_39 : vector<2000x128xf32>
    %add3A_41 = arith.addf %add3A_40, %dot_general3A_32 : vector<2000x128xf32>
    %jit3A_42 = arith.constant 0.000000e+00 : f32
    %broadcast_in_dim3A_43 = vector.shape_cast %gt3A_35 : vector<2000x1xi1> to vector<2000x1xi1>
    %broadcast_in_dim3A_44 = vector.broadcast %broadcast_in_dim3A_43 : vector<2000x1xi1> to vector<2000x128xi1>
    %broadcast_in_dim3A_45 = vector.broadcast %jit3A_42 : f32 to vector<2000x128xf32>
    %select_n3A_46 = arith.select %broadcast_in_dim3A_44, %add3A_41, %broadcast_in_dim3A_45 : vector<2000x128xi1>, vector<2000x128xf32>
    %get3A_47 = arith.constant 0 : index
    %get3A_48 = arith.constant 0 : index
    %get3A_49 = vector.load %arg4[%get3A_47, %get3A_48] : memref<2000x128xf32, #tpu.memory_space<vmem>>, vector<2000x128xf32>
    %add3A_50 = arith.addf %select_n3A_46, %get3A_49 : vector<2000x128xf32>
    %swap3A = arith.constant 0 : index
    %swap3A_51 = arith.constant 0 : index
    %swap3A_52 = vector.load %arg8[%swap3A, %swap3A_51] : memref<2000x128xf32, #tpu.memory_space<vmem>>, vector<2000x128xf32>
    tpu.vector_store %arg8[%swap3A, %swap3A_51], %add3A_50 {strides = array<i32>} : memref<2000x128xf32, #tpu.memory_space<vmem>>, vector<2000x128xf32>,
    return
  }
  func.func @transform_0(%arg0: i32) -> (i32, i32) {
    %c0_i32 = arith.constant 0 : i32
    %c0_i32_0 = arith.constant 0 : i32
    return %arg0, %c0_i32 : i32, i32
  }
  func.func @transform_1(%arg0: i32) -> (i32, i32) {
    %c0_i32 = arith.constant 0 : i32
    %c0_i32_0 = arith.constant 0 : i32
    return %arg0, %c0_i32 : i32, i32
  }
  func.func @transform_2(%arg0: i32) -> (i32, i32) {
    %c0_i32 = arith.constant 0 : i32
    %c0_i32_0 = arith.constant 0 : i32
    return %arg0, %c0_i32 : i32, i32
  }
  func.func @transform_3(%arg0: i32) -> (i32, i32) {
    %c0_i32 = arith.constant 0 : i32
    %c0_i32_0 = arith.constant 0 : i32
    return %arg0, %c0_i32 : i32, i32
  }
  func.func @transform_4(%arg0: i32) -> (i32, i32) {
    %c0_i32 = arith.constant 0 : i32
    %c0_i32_0 = arith.constant 0 : i32
    %c0_i32_1 = arith.constant 0 : i32
    return %c0_i32, %c0_i32_0 : i32, i32
  }
  func.func @transform_5(%arg0: i32) -> (i32, i32) {
    %c0_i32 = arith.constant 0 : i32
    %c0_i32_0 = arith.constant 0 : i32
    %c0_i32_1 = arith.constant 0 : i32
    return %c0_i32, %c0_i32_0 : i32, i32
  }
  func.func @transform_6(%arg0: i32) -> (i32, i32) {
    %c0_i32 = arith.constant 0 : i32
    %c0_i32_0 = arith.constant 0 : i32
    %c0_i32_1 = arith.constant 0 : i32
    return %c0_i32, %c0_i32_0 : i32, i32
  }
  func.func @transform_7(%arg0: i32) -> (i32, i32) {
    %c0_i32 = arith.constant 0 : i32
    %c0_i32_0 = arith.constant 0 : i32
    return %arg0, %c0_i32 : i32, i32
  }
}

</mosaic_0001>

<sc_bundles>
// kernel: kernel.6.cloned.1.call-start
scs
__scs_entry_jumppad:
0x0: {  	(pc) =	sbr.rel $0x88, $3  }
0x1: {  	(tag) =	ssettag $0x0;
	lr =	simm.s32 $0x1  }
0x2: {  	[smem:$0x3F9B] =	sst lr;
	_ =	strace $0xD0000000  }
0x3: {  	_ = 	snop  }
0x4: {  	_ = 	snop  }
0x5: {  	_ = 	snop  }
0x6: {  	_ = 	snop  }
0x7: {  	_ = 	snop  }
__scs_overlays_trampoline_lowered:
0x8: {  	[smem:$0x3FAA] =	sst s0  }
0x9: {  	[smem:$0x3FAB] =	sst s1  }
0xa: {  	[smem:$0x3FAC] =	sst s2  }
0xb: {  	[smem:$0x3FAD] =	sst s3  }
0xc: {  	[smem:$0x3FAE] =	sst s4  }
0xd: {  	[smem:$0x3FAF] =	sst s5  }
0xe: {  	[smem:$0x3FB0] =	sst s6  }
0xf: {  	[smem:$0x3FB1] =	sst s7  }
0x10: {  	[smem:$0x3FB2] =	sst s8  }
0x11: {  	[smem:$0x3FB3] =	sst s9;
	s0 =	simm.s32 @!p0 $0x0  }
0x12: {  	s1 =	sld [smem:$0x3F99];
	s0 =	simm.s32 @p0 $0x1  }
0x13: {  	[smem:$0x3FB4] =	sst s0;
	s0 =	simm.s32 @!p1 $0x0  }
0x14: {  	s2 =	sld [smem:$0x3F98];
	s0 =	simm.s32 @p1 $0x1  }
0x15: {  	[smem:$0x3FB5] =	sst s0;
	s0 =	simm.s32 @!p2 $0x0  }
0x16: {  	s3 =	sld [smem:$0x3FDB];
	s0 =	simm.s32 @p2 $0x1  }
0x17: {  	s4 =	simm.s32 $0x1BF5;
	[smem:$0x3FB7] =	sst s0  }
0x18: {  	s0 =	sld [smem:$0x3F9A];
	_ =	swait.ge [sflag:s4], $0x0  }
0x19: {  	s7 =	sld [smem:$0x3F9B]  }
0x1a: {  	s8 =	sadd.s32 $0xFFFFE003, lr  }
0x1b: {  	s9 =	sadd.s32 $0xFFFFFEF7, lr;
	s5 =	simm.s32 $0xFFFFFFFF;
	p2 =	slt.u32 s8, $0xFFFFF086  }
0x1c: {  	p1 =	slt.u32 s9, $0xF7A;
	s5 =	simm.s32 @!p2 $0x0  }
0x1d: {  	s5 =	simm.s32 @p1 $0x1;
	p0 =	seq.s32 s7, s2  }
0x1e: {  	s7 =	smul.u32 @!p0 $0xF7A, s2;
	p2 =	seq.s32 @!p0 s5, $0x0  }
0x1f: {  	s9 =	smul.u32 $0xF7A, s1;
	s8 =	simm.s32 @!p0 $0x1BF5;
	p2 =	por !p2, p0  }
0x20: {  	[sflag:s8] =	ssyncset.s32 @!p0 $0xFFFFF086;
	s6 =	sadd.s32 @!p0 s3, s7;
	s7 =	simm.s32 @!p0 $0x108  }
0x21: {  	s3 =	sadd.s32 s3, s9;
	s6 =	sadd.s32 @!p0 $0x88, s6;
	s7 =	simm.s32 @p2 $0x1082  }
0x22: {  	[simem:s7], [sflag:s8] =	dma.local @!p0 [hbm:s6], $0xF7A  }
0x23: {  	s9 =	sor.u32 $0xD0000000, s2;
	s6 =	simm.s32 $0x108;
	_ =	swait.ge @!p0 [sflag:s8], $0x0  }
0x24: {  	s3 =	sadd.s32 $0x88, s3;
	s6 =	simm.s32 @!p1 $0x1082;
	[sflag:s4] =	ssyncset.s32 $0xFFFFF086  }
0x25: {  	[simem:s6], [sflag:s4] =	dma.local [hbm:s3], $0xF7A  }
0x26: {  	[smem:$0x3F9B] =	sst s1;
	(tag) =	ssettag s2;
	_ =	strace s9  }
0x27: {  	s1 =	sld [smem:$0x3FAB]  }
0x28: {  	s2 =	sld [smem:$0x3FAC]  }
0x29: {  	s4 =	sld [smem:$0x3FAE]  }
0x2a: {  	p0 =	seq.s32 s5, $0x0;
	s5 =	sld [smem:$0x3FAF]  }
0x2b: {  	s6 =	sld [smem:$0x3FB0]  }
0x2c: {  	s7 =	sld [smem:$0x3FB1]  }
0x2d: {  	s3 =	simm.s32 $0x108;
	s8 =	sld [smem:$0x3FB2]  }
0x2e: {  	s3 =	simm.s32 @!p0 $0x1082;
	s9 =	sld [smem:$0x3FB3]  }
0x2f: {  	lr =	sadd.s32 s0, s3;
	s0 =	sld [smem:$0x3FAA]  }
0x30: {  	s3 =	sld [smem:$0x3FAD]  }
0x31: {  	[smem:$0x3FB6] =	sst s10  }
0x32: {  	s10 =	sld [smem:$0x3FB4];
	_ =	sdelay $0x3  }
0x33: {  	p0 =	seq.s32 s10, $0x1;
	s10 =	sld [smem:$0x3FB6];
	_ =	sdelay $0x3  }
0x34: {  	[smem:$0x3FB6] =	sst s10  }
0x35: {  	s10 =	sld [smem:$0x3FB5];
	_ =	sdelay $0x3  }
0x36: {  	p1 =	seq.s32 s10, $0x1;
	s10 =	sld [smem:$0x3FB6];
	_ =	sdelay $0x3  }
0x37: {  	[smem:$0x3FB6] =	sst s10  }
0x38: {  	s10 =	sld [smem:$0x3FB7]  }
0x39: {  	_ = 	snop;
	(pc) =	sbr.ind lr, $3  }
0x3a: {  	_ = 	snop  }
0x3b: {  	_ = 	snop  }
0x3c: {  	p2 =	seq.s32 s10, $0x1;
	s10 =	sld [smem:$0x3FB6]  }
0x3d: {  	_ =	shalt  }
0x3e: {  	_ =	shalt  }
0x3f: {  	_ =	shalt  }
0x40: {  	_ =	shalt  }
0x41: {  	_ =	shalt  }
0x42: {  	_ =	shalt  }
0x43: {  	_ =	shalt  }
0x44: {  	_ =	shalt  }
0x45: {  	_ =	shalt  }
0x46: {  	_ =	shalt  }
0x47: {  	_ =	shalt  }
0x48: {  	_ =	shalt  }
0x49: {  	_ =	shalt  }
0x4a: {  	_ =	shalt  }
0x4b: {  	_ =	shalt  }
0x4c: {  	_ =	shalt  }
0x4d: {  	_ =	shalt  }
0x4e: {  	_ =	shalt  }
0x4f: {  	_ =	shalt  }
0x50: {  	_ =	shalt  }
0x51: {  	_ =	shalt  }
0x52: {  	_ =	shalt  }
0x53: {  	_ =	shalt  }
0x54: {  	_ =	shalt  }
0x55: {  	_ =	shalt  }
0x56: {  	_ =	shalt  }
0x57: {  	_ =	shalt  }
0x58: {  	_ =	shalt  }
0x59: {  	_ =	shalt  }
0x5a: {  	_ =	shalt  }
0x5b: {  	_ =	shalt  }
0x5c: {  	_ =	shalt  }
0x5d: {  	_ =	shalt  }
0x5e: {  	_ =	shalt  }
0x5f: {  	_ =	shalt  }
0x60: {  	_ =	shalt  }
0x61: {  	_ =	shalt  }
0x62: {  	_ =	shalt  }
0x63: {  	_ =	shalt  }
0x64: {  	_ =	shalt  }
0x65: {  	_ =	shalt  }
0x66: {  	_ =	shalt  }
0x67: {  	_ =	shalt  }
0x68: {  	_ =	shalt  }
0x69: {  	_ =	shalt  }
0x6a: {  	_ =	shalt  }
0x6b: {  	_ =	shalt  }
0x6c: {  	_ =	shalt  }
0x6d: {  	_ =	shalt  }
0x6e: {  	_ =	shalt  }
0x6f: {  	_ =	shalt  }
0x70: {  	_ =	shalt  }
0x71: {  	_ =	shalt  }
0x72: {  	_ =	shalt  }
0x73: {  	_ =	shalt  }
0x74: {  	_ =	shalt  }
0x75: {  	_ =	shalt  }
0x76: {  	_ =	shalt  }
0x77: {  	_ =	shalt  }
0x78: {  	_ =	shalt  }
0x79: {  	_ =	shalt  }
0x7a: {  	_ =	shalt  }
0x7b: {  	_ =	shalt  }
0x7c: {  	_ =	shalt  }
0x7d: {  	_ =	shalt  }
0x7e: {  	_ =	shalt  }
0x7f: {  	_ =	shalt  }
0x80: {  	_ =	shalt  }
0x81: {  	_ =	shalt  }
0x82: {  	_ =	shalt  }
0x83: {  	_ =	shalt  }
0x84: {  	_ =	shalt  }
0x85: {  	_ =	shalt  }
0x86: {  	_ =	shalt  }
0x87: {  	_ =	shalt  }
.Lfunc_end0:
.L_simem_size_0:
called_computation_lowered:
.L_overlay_start_0:
0x88: {  	s2 =	sld [smem:$0x3FD9]  }
0x89: {  	s3 =	sld [smem:$0x3FFE];
	_ =	sdelay $0x1  }
0x8a: {  	s1 =	srdreg.scid  }
0x8b: {  	s0 =	sand.u32 $0x1, s1  }
0x8c: {  	s17 =	sshll.u32 s0, $0xA;
	s2 =	sadd.s32 s3, s2  }
0x8d: {  	s2 =	sadd.s32 s2, s17  }
0x8e: {  	[smem:$0x3FC2] =	sst s2  }
0x8f: {  	_ = 	snop  }
0x90: {  	s2 =	sld [smem:$0x3FD0];
	(tm) =	ssettm $0x1  }
0x91: {  	s18 =	sld [smem:$0x3FFB];
	_ =	sdelay $0x3  }
0x92: {  	_ =	strace s18  }
0x93: {  	s3 =	sld [smem:$0x3FFC];
	_ =	sdelay $0x3  }
0x94: {  	_ =	strace s3  }
0x95: {  	s3 =	sld [smem:$0x3FFD];
	_ =	sdelay $0x3  }
0x96: {  	_ =	strace s3  }
0x97: {  	_ =	strace $0x8FFFFFFF  }
0x98: {  	s19 =	sld [smem:$0x3FDB];
	_ =	sdelay $0x1  }
0x99: {  	s4 =	simm.s32 $_scs_section_size  }
0x9a: {  	s5 =	simm.s32 $_size__tile_overlayer_lowered;
	s6 =	simm.s32 $_tile_overlayer_lowered  }
0x9b: {  	s22 =	simm.s32 $0x1BFF;
	s21 =	sshll.u32 s6, $0x1;
	s3 =	sadd.s32 s4, s19  }
0x9c: {  	s7 =	simm.s32 $0x0;
	s20 =	sshll.u32 s5, $0x1;
	s5 =	sadd.s32 s21, s3  }
0x9d: {  	[timem:s7], [sflag:s22] =	dma.local [hbm:s5], s20  }
0x9e: {  	_ =	swait.ge [sflag:s22], s20  }
0x9f: {  	s4 =	ssub.s32 $0x0, s20;
	[sflag:s22] =	ssyncset.done $0x0  }
0xa0: {  	[sflag:s22] =	ssyncadd.s32 s4;
	_ =	sdelay $0x1  }
0xa1: {  	s23 =	simm.s32 $0x1B8B  }
0xa2: {  	_ =	swait.ge [sflag:s23], $0x1  }
0xa3: {  	[sflag:s23] =	ssyncset.done $0x0  }
0xa4: {  	s25 =	simm.s32 $0x1B8E;
	s24 =	sld [smem:$0x3FFE];
	[sflag:s23] =	ssyncadd.s32 $0xFFFFFFFF  }
0xa5: {  	s26 =	simm.s32 $execute0_lowered;
	[smem:$0x3FD2] =	sst s25  }
0xa6: {  	s5 =	sshll.u32 s26, $0x1;
	_ =	strace $0x80000046;
	[dreg:$0x1] =	wrdreg $0xFFFFFFFF  }
0xa7: {  	s28 =	simm.s32 $_size_execute0_lowered;
	s3 =	sadd.s32 s3, s5;
	[dreg:$0x0] =	wrdreg $0x0  }
0xa8: {  	s5 =	sshll.u32 s28, $0x1;
	[dreg:$0x2] =	wrdreg s3  }
0xa9: {  	[dreg:$0x3] =	wrdreg s5  }
0xaa: {  	[dreg:$0x4] =	wrdreg $0xC0  }
0xab: {  	_ =	task [dreg:s7], $0x5FFFF  }
0xac: {  	[dreg:$0x1] =	wrdreg $0xFFFFFFFF  }
0xad: {  	[dreg:$0x0] =	wrdreg $0x60  }
0xae: {  	[dreg:$0x2] =	wrdreg s2  }
0xaf: {  	[dreg:$0x3] =	wrdreg s24  }
0xb0: {  	[dreg:$0x4] =	wrdreg $0xC2200  }
0xb1: {  	[dreg:$0x5] =	wrdreg $0x16B200  }
0xb2: {  	[dreg:$0x6] =	wrdreg $0x9  }
0xb3: {  	_ =	task.clear_ibuf [dreg:s7], $0x7FFFF;
	_ =	strace $0x90000046  }
0xb4: {  	s29 =	simm.s32 $0x9;
	_ =	strace $0x80000048  }
0xb5: {  	_ =	swait.ge [sflag:s29], $0x1  }
0xb6: {  	[sflag:s29] =	ssyncadd.s32 $0xFFFFFFFF  }
0xb7: {  	_ =	strace $0x90000048  }
0xb8: {  	_ =	sfence  }
0xb9: {  	s30 =	sld [smem:$0x0];
	_ =	sdelay $0x2  }
0xba: {  	s31 =	sshll.u32 s1, $0xD;
	s1 =	sshrl.u32 s1, $0x2  }
0xbb: {  	s3 =	sand.u32 $0x4000, s31;
	s1 =	sadd.s32 s1, s30  }
0xbc: {  	s0 =	sor.u32 s3, s0;
	s1 =	sshll.u32 s1, $0x11  }
0xbd: {  	s0 =	sor.u32 s1, s0  }
0xbe: {  	s0 =	sadd.s32 $0x8F2B, s0  }
0xbf: {  	[sflag:s0] =	ssyncadd.remote.s32 $0x1  }
0xc0: {  	_ =	sfence.sel $0xFFFF  }
0xc1: {  	[dreg:$0x0] =	wrdreg $0xFFFFFFFF;
	(pc) =	sbr.abs _section_cstart, $3  }
0xc2: {  	[dreg:$0x1] =	wrdreg $0xFFFFFFFF  }
0xc3: {  	_ =	task.clear_ibuf [dreg:s7], $0x2FFFF;
	_ =	strace $0x9FFFFFFF  }
0xc4: {  	(tm) =	ssettm $0x7FFFFFFF  }
0xc5: {  	_ =	shalt  }
tec
execute0_lowered:
.L_overlay_start_1:
0x0: {  	(tag) =	ssettag $0x1  }
0x1: {  	s1 =	rddreg [dreg:$0x0]  }
0x2: {  	s0 =	rddreg [dreg:$0x1]  }
0x3: {  	s2 =	srdreg.scid;
	s11 =	stileid.u32  }
0x4: {  	s3 =	rddreg [dreg:$0x2];
	s20 =	smul.u32 $0x28000, s11  }
0x5: {  	s4 =	rddreg [dreg:$0x3];
	s6 =	simm.s32 $0x0;
	s8 =	smul.u32 $0x5000, s11  }
0x6: {  	s19 =	simm.s32 $0xAE20;
	s2 =	sand.u32 $0x1, s2;
	s10 =	smul.u32 $0x280, s11  }
0x7: {  	s5 =	sshll.u32 s11, $0x1;
	[smem:$0x7FF] =	sst s6;
	s22 =	smul.u32 $0xA000, s11  }
0x8: {  	s5 =	sor.u32 s2, s5;
	_ =	strace $0x80000047;
	s7 =	sshll.u32 s2, $0x7  }
0x9: {  	s9 =	sshll.u32 s2, $0x4;
	s2 =	ssub.s32 $0x2, s2;
	[dreg:$0x5] =	wrdreg s19  }
0xa: {  	s19 =	simm.s32 $0x4;
	s5 =	smul.u32 $0x2710, s5;
	s7 =	sor.u32 s7, s20  }
0xb: {  	s8 =	sor.u32 s9, s8;
	s21 =	sshrl.u32 s2, $0x1;
	s25 =	sshrl.u32 s20, $0x2  }
0xc: {  	s28 =	sshrl.u32 s22, $0x2;
	s29 =	sor.u32 $0x40, s10;
	s11 =	sadd.s32 $0x100, s10  }
0xd: {  	s13 =	sadd.s32 $0x140, s10;
	s18 =	sadd.s32 $0x180, s10;
	s7 =	sshrl.u32 s7, $0x4  }
0xe: {  	s8 =	sshrl.u32 s8, $0x3;
	s2 =	ssub.s32 s2, s21;
	s23 =	sadd.s32 s25, s3  }
0xf: {  	s31 =	sadd.s32 s28, s4;
	s30 =	sshll.u32 s29, $0x6;
	s12 =	sshll.u32 s11, $0x6  }
0x10: {  	s14 =	sshll.u32 s11, $0x4;
	s15 =	sshll.u32 s13, $0x6;
	s17 =	sshll.u32 s13, $0x4  }
0x11: {  	s20 =	sshll.u32 s18, $0x6;
	s21 =	sadd.s32 $0x1C0, s10;
	s28 =	sadd.s32 $0x240, s10  }
0x12: {  	s13 =	simm.s32 $0x2;
	s5 =	sshrl.u32 s5, $0x3;
	s7 =	sadd.s32 s7, s0  }
0x13: {  	s2 =	smax.u32 s2, $0x1;
	s16 =	sadd.s32 s15, s3;
	[dreg:$0x9] =	wrdreg s23  }
0x14: {  	s22 =	sshll.u32 s21, $0x6;
	s15 =	simm.s32 $0xB;
	[dreg:$0xb] =	wrdreg s31  }
0x15: {  	s5 =	sadd.s32 s5, s0;
	s0 =	sadd.s32 s8, s0;
	[dreg:$0xc] =	wrdreg s2  }
0x16: {  	s26 =	sadd.s32 $0x15E00, s7;
	s2 =	sadd.s32 s30, s3;
	[dreg:$0x15] =	wrdreg s16  }
0x17: {  	s7 =	sadd.s32 $0xC0, s10;
	s16 =	simm.s32 $0x7;
	[dreg:$0x8] =	wrdreg s26  }
0x18: {  	s24 =	sadd.s32 $0x2400, s5;
	s5 =	sadd.s32 $0xC040, s5;
	[dreg:$0xd] =	wrdreg s2  }
0x19: {  	s0 =	sadd.s32 $0x3DE00, s0;
	s8 =	sshll.u32 s7, $0x6;
	[dreg:$0x6] =	wrdreg s24  }
0x1a: {  	s9 =	sshll.u32 s7, $0x4;
	s7 =	simm.s32 $0x7220;
	[dreg:$0x7] =	wrdreg s5  }
0x1b: {  	[dreg:$0xa] =	wrdreg s0;
	s0 =	sshll.u32 s29, $0x4;
	s5 =	sadd.s32 $0x80, s10  }
0x1c: {  	s24 =	sadd.s32 $0x200, s10;
	s0 =	sadd.s32 s0, s4;
	s6 =	sshll.u32 s5, $0x6  }
0x1d: {  	[dreg:$0xe] =	wrdreg s0;
	s0 =	sshll.u32 s5, $0x4;
	s2 =	sadd.s32 s6, s3  }
0x1e: {  	s29 =	sshll.u32 s28, $0x6;
	[dreg:$0xf] =	wrdreg s2;
	s0 =	sadd.s32 s0, s4  }
0x1f: {  	s10 =	simm.s32 $0x9A20;
	s2 =	sadd.s32 s20, s3;
	[dreg:$0x10] =	wrdreg s0  }
0x20: {  	s25 =	sshll.u32 s24, $0x6;
	s0 =	sadd.s32 s8, s3;
	[dreg:$0x17] =	wrdreg s2  }
0x21: {  	s26 =	sshll.u32 s24, $0x4;
	s2 =	sadd.s32 s22, s3;
	[dreg:$0x11] =	wrdreg s0  }
0x22: {  	s24 =	simm.s32 $0x0;
	s0 =	sadd.s32 s9, s4;
	[dreg:$0x19] =	wrdreg s2  }
0x23: {  	s5 =	simm.s32 $0x16720;
	[dreg:$0x12] =	wrdreg s0;
	s0 =	sadd.s32 s12, s3  }
0x24: {  	s6 =	simm.s32 $0x50;
	[dreg:$0x13] =	wrdreg s0;
	s0 =	sadd.s32 s14, s4  }
0x25: {  	s20 =	simm.s32 $0x9;
	[dreg:$0x14] =	wrdreg s0;
	s0 =	sadd.s32 s17, s4  }
0x26: {  	s2 =	sshll.u32 s28, $0x4;
	[dreg:$0x16] =	wrdreg s0;
	s0 =	sshll.u32 s18, $0x4  }
0x27: {  	s8 =	simm.s32 $0x8620;
	s30 =	sadd.s32 s2, s4;
	s0 =	sadd.s32 s0, s4  }
0x28: {  	s2 =	simm.s32 $0xC;
	[dreg:$0x18] =	wrdreg s0;
	s0 =	sshll.u32 s21, $0x4  }
0x29: {  	s12 =	simm.s32 $0x6;
	[dreg:$0x1e] =	wrdreg s30;
	s0 =	sadd.s32 s0, s4  }
0x2a: {  	s14 =	simm.s32 $0x16220;
	[dreg:$0x1a] =	wrdreg s0;
	s0 =	sadd.s32 s25, s3  }
0x2b: {  	s17 =	simm.s32 $0x3;
	[dreg:$0x1b] =	wrdreg s0;
	s0 =	sadd.s32 s26, s4  }
0x2c: {  	s18 =	simm.s32 $0x8;
	[dreg:$0x1c] =	wrdreg s0;
	s0 =	sadd.s32 s29, s3  }
0x2d: {  	v0 =	vimm.bf16 $0.0e+00;
	v1 =	vimm.f32 $1.000000000e+00;
	s21 =	simm.s32 $0x5;
	[dreg:$0x1d] =	wrdreg s0;
	s0 =	simm.s32 $0x4E20  }
.LBB2_1:
0x2e: {  	s9 =	simm.s32 $0x0;
	s11 =	rddreg [dreg:$0x6]  }
0x2f: {  	[tilespmem:s9], [sflag:$0xC] =	stream.linear.gather [hbm4b:s11+s9], $0x2710, $0x38;
	[tilespmem:$0x19320] =	vst v63  }
0x30: {  	_ =	swait.ge [sflag:s2], $0x2710  }
0x31: {  	[sflag:s2] =	ssyncset.done $0x0  }
0x32: {  	s22 =	simm.s32 $0x2710;
	s30 =	rddreg [dreg:$0x7];
	[sflag:s2] =	ssyncadd.s32 $0xFFFFD8F0  }
0x33: {  	[tilespmem:s22], [sflag:$0xC] =	stream.linear.gather [hbm4b:s30+s9], $0x2710, $0x38;
	[tilespmem:$0x19320] =	vst v63  }
0x34: {  	_ =	swait.ge [sflag:s2], $0x2710  }
0x35: {  	[sflag:s2] =	ssyncset.done $0x0  }
0x36: {  	s26 =	simm.s32 $0x4E40;
	[sflag:s2] =	ssyncadd.s32 $0xFFFFD8F0  }
0x37: {  	[tilespmem:s26+$0x0] =	vst v0  }
0x38: {  	[tilespmem:s26+$0x10] =	vst v0  }
0x39: {  	[tilespmem:s26+$0xFFFFFFE0] =	vst v0  }
0x3a: {  	s25 =	simm.s32 $0x1;
	p0 =	por $0x0, $0x0;
	[tilespmem:s26+$0xFFFFFFF0] =	vst v0  }
0x3b: {  	s28 =	simm.s32 $0x4E80;
	s29 =	simm.s32 $0x16220;
	v2 =	vimm.f32 @!p0 $0.0e+00;
	s26 =	simm.s32 $0x16720;
	[tilespmem:s14+$0x0] =	vst v1  }
.LBB2_2:
0x3c: {  	s30 =	smov.u32 s25;
	s25 =	sadd.s32 $0x1, s25  }
0x3d: {  	[tilespmem:s26+$0x0] =	vst @!p0 v2;
	s29 =	sadd.s32 $0x10, s29;
	s26 =	sadd.s32 $0x10, s26;
	p1 =	sne.s32 s25, $0x50  }
.Ltmp0:
0x3e: {  	[tilespmem:s28+$0x0] =	vst v0;
	(pc) =	sbr.rel @p1 .LBB2_2-.Ltmp0, $4  }
0x3f: {  	[tilespmem:s28+$0x10] =	vst v0  }
0x40: {  	[tilespmem:s28+$0xFFFFFFE0] =	vst v0  }
0x41: {  	p0 =	sgt.u32 s30, $0x3F;
	[tilespmem:s28+$0xFFFFFFF0] =	vst v0  }
0x42: {  	v2 =	vimm.f32 @!p0 $0.0e+00;
	s28 =	sadd.s32 $0x40, s28;
	[tilespmem:s29+$0x0] =	vst v1  }
0x43: {  	[tilespmem:s26+$0x0] =	vst @!p0 v2  }
0x44: {  	[spmem:s23] =	stream.linear.scatter [tilespmem:s0], [sflag:$0xC], $0x1000, $0x38;
	[tilespmem:$0x19320] =	vst v63  }
0x45: {  	_ =	swait.ge [sflag:s2], $0x1000  }
0x46: {  	[sflag:s2] =	ssyncset.done $0x0  }
0x47: {  	[sflag:s2] =	ssyncadd.s32 $0xFFFFF000  }
0x48: {  	[spmem:s31] =	stream.linear.scatter [tilespmem:s5], [sflag:$0xC], $0x400, $0x38;
	[tilespmem:$0x19320] =	vst v63  }
0x49: {  	_ =	swait.ge [sflag:s2], $0x400  }
0x4a: {  	[sflag:s2] =	ssyncset.done $0x0  }
0x4b: {  	s9 =	rddreg [dreg:$0xd];
	[sflag:s2] =	ssyncadd.s32 $0xFFFFFC00  }
0x4c: {  	[spmem:s9] =	stream.linear.scatter [tilespmem:s0], [sflag:$0xC], $0x1000, $0x38;
	[tilespmem:$0x19320] =	vst v63  }
0x4d: {  	_ =	swait.ge [sflag:s2], $0x1000  }
0x4e: {  	[sflag:s2] =	ssyncset.done $0x0  }
0x4f: {  	s30 =	rddreg [dreg:$0xe];
	[sflag:s2] =	ssyncadd.s32 $0xFFFFF000  }
0x50: {  	[spmem:s30] =	stream.linear.scatter [tilespmem:s5], [sflag:$0xC], $0x400, $0x38;
	[tilespmem:$0x19320] =	vst v63  }
0x51: {  	_ =	swait.ge [sflag:s2], $0x400  }
0x52: {  	[sflag:s2] =	ssyncset.done $0x0  }
0x53: {  	s31 =	rddreg [dreg:$0xf];
	[sflag:s2] =	ssyncadd.s32 $0xFFFFFC00  }
0x54: {  	[spmem:s31] =	stream.linear.scatter [tilespmem:s0], [sflag:$0xC], $0x1000, $0x38;
	[tilespmem:$0x19320] =	vst v63  }
0x55: {  	_ =	swait.ge [sflag:s2], $0x1000  }
0x56: {  	[sflag:s2] =	ssyncset.done $0x0  }
0x57: {  	s11 =	rddreg [dreg:$0x10];
	[sflag:s2] =	ssyncadd.s32 $0xFFFFF000  }
0x58: {  	[spmem:s11] =	stream.linear.scatter [tilespmem:s5], [sflag:$0xC], $0x400, $0x38;
	[tilespmem:$0x19320] =	vst v63  }
0x59: {  	_ =	swait.ge [sflag:s2], $0x400  }
0x5a: {  	[sflag:s2] =	ssyncset.done $0x0  }
0x5b: {  	s22 =	rddreg [dreg:$0x11];
	[sflag:s2] =	ssyncadd.s32 $0xFFFFFC00  }
0x5c: {  	[spmem:s22] =	stream.linear.scatter [tilespmem:s0], [sflag:$0xC], $0x1000, $0x38;
	[tilespmem:$0x19320] =	vst v63  }
0x5d: {  	_ =	swait.ge [sflag:s2], $0x1000  }
0x5e: {  	[sflag:s2] =	ssyncset.done $0x0  }
0x5f: {  	s23 =	rddreg [dreg:$0x12];
	[sflag:s2] =	ssyncadd.s32 $0xFFFFF000  }
0x60: {  	[spmem:s23] =	stream.linear.scatter [tilespmem:s5], [sflag:$0xC], $0x400, $0x38;
	[tilespmem:$0x19320] =	vst v63  }
0x61: {  	_ =	swait.ge [sflag:s2], $0x400  }
0x62: {  	[sflag:s2] =	ssyncset.done $0x0  }
0x63: {  	s25 =	rddreg [dreg:$0x13];
	[sflag:s2] =	ssyncadd.s32 $0xFFFFFC00  }
0x64: {  	[spmem:s25] =	stream.linear.scatter [tilespmem:s0], [sflag:$0xC], $0x1000, $0x38;
	[tilespmem:$0x19320] =	vst v63  }
0x65: {  	_ =	swait.ge [sflag:s2], $0x1000  }
0x66: {  	[sflag:s2] =	ssyncset.done $0x0  }
0x67: {  	s26 =	rddreg [dreg:$0x14];
	[sflag:s2] =	ssyncadd.s32 $0xFFFFF000  }
0x68: {  	[spmem:s26] =	stream.linear.scatter [tilespmem:s5], [sflag:$0xC], $0x400, $0x38;
	[tilespmem:$0x19320] =	vst v63  }
0x69: {  	_ =	swait.ge [sflag:s2], $0x400  }
0x6a: {  	[sflag:s2] =	ssyncset.done $0x0  }
0x6b: {  	s28 =	rddreg [dreg:$0x15];
	[sflag:s2] =	ssyncadd.s32 $0xFFFFFC00  }
0x6c: {  	[spmem:s28] =	stream.linear.scatter [tilespmem:s0], [sflag:$0xC], $0x1000, $0x38;
	[tilespmem:$0x19320] =	vst v63  }
0x6d: {  	_ =	swait.ge [sflag:s2], $0x1000  }
0x6e: {  	[sflag:s2] =	ssyncset.done $0x0  }
0x6f: {  	s29 =	rddreg [dreg:$0x16];
	[sflag:s2] =	ssyncadd.s32 $0xFFFFF000  }
0x70: {  	[spmem:s29] =	stream.linear.scatter [tilespmem:s5], [sflag:$0xC], $0x400, $0x38;
	[tilespmem:$0x19320] =	vst v63  }
0x71: {  	_ =	swait.ge [sflag:s2], $0x400  }
0x72: {  	[sflag:s2] =	ssyncset.done $0x0  }
0x73: {  	s30 =	rddreg [dreg:$0x17];
	[sflag:s2] =	ssyncadd.s32 $0xFFFFFC00  }
0x74: {  	[spmem:s30] =	stream.linear.scatter [tilespmem:s0], [sflag:$0xC], $0x1000, $0x38;
	[tilespmem:$0x19320] =	vst v63  }
0x75: {  	_ =	swait.ge [sflag:s2], $0x1000  }
0x76: {  	[sflag:s2] =	ssyncset.done $0x0  }
0x77: {  	s31 =	rddreg [dreg:$0x18];
	[sflag:s2] =	ssyncadd.s32 $0xFFFFF000  }
0x78: {  	[spmem:s31] =	stream.linear.scatter [tilespmem:s5], [sflag:$0xC], $0x400, $0x38;
	[tilespmem:$0x19320] =	vst v63  }
0x79: {  	_ =	swait.ge [sflag:s2], $0x400  }
0x7a: {  	[sflag:s2] =	ssyncset.done $0x0  }
0x7b: {  	s11 =	rddreg [dreg:$0x19];
	[sflag:s2] =	ssyncadd.s32 $0xFFFFFC00  }
0x7c: {  	[spmem:s11] =	stream.linear.scatter [tilespmem:s0], [sflag:$0xC], $0x1000, $0x38;
	[tilespmem:$0x19320] =	vst v63  }
0x7d: {  	_ =	swait.ge [sflag:s2], $0x1000  }
0x7e: {  	[sflag:s2] =	ssyncset.done $0x0  }
0x7f: {  	s22 =	rddreg [dreg:$0x1a];
	[sflag:s2] =	ssyncadd.s32 $0xFFFFF000  }
0x80: {  	[spmem:s22] =	stream.linear.scatter [tilespmem:s5], [sflag:$0xC], $0x400, $0x38;
	[tilespmem:$0x19320] =	vst v63  }
0x81: {  	_ =	swait.ge [sflag:s2], $0x400  }
0x82: {  	[sflag:s2] =	ssyncset.done $0x0  }
0x83: {  	s23 =	rddreg [dreg:$0x1b];
	[sflag:s2] =	ssyncadd.s32 $0xFFFFFC00  }
0x84: {  	[spmem:s23] =	stream.linear.scatter [tilespmem:s0], [sflag:$0xC], $0x1000, $0x38;
	[tilespmem:$0x19320] =	vst v63  }
0x85: {  	_ =	swait.ge [sflag:s2], $0x1000  }
0x86: {  	[sflag:s2] =	ssyncset.done $0x0  }
0x87: {  	s25 =	rddreg [dreg:$0x1c];
	[sflag:s2] =	ssyncadd.s32 $0xFFFFF000  }
0x88: {  	[spmem:s25] =	stream.linear.scatter [tilespmem:s5], [sflag:$0xC], $0x400, $0x38;
	[tilespmem:$0x19320] =	vst v63  }
0x89: {  	_ =	swait.ge [sflag:s2], $0x400  }
0x8a: {  	[sflag:s2] =	ssyncset.done $0x0  }
0x8b: {  	s26 =	rddreg [dreg:$0x1d];
	[sflag:s2] =	ssyncadd.s32 $0xFFFFFC00  }
0x8c: {  	[spmem:s26] =	stream.linear.scatter [tilespmem:s0], [sflag:$0xC], $0x1000, $0x38;
	[tilespmem:$0x19320] =	vst v63  }
0x8d: {  	_ =	swait.ge [sflag:s2], $0x1000  }
0x8e: {  	[sflag:s2] =	ssyncset.done $0x0  }
0x8f: {  	s28 =	rddreg [dreg:$0x1e];
	[sflag:s2] =	ssyncadd.s32 $0xFFFFF000  }
0x90: {  	[spmem:s28] =	stream.linear.scatter [tilespmem:s5], [sflag:$0xC], $0x400, $0x38;
	[tilespmem:$0x19320] =	vst v63  }
0x91: {  	_ =	swait.ge [sflag:s2], $0x400  }
0x92: {  	[sflag:s2] =	ssyncset.done $0x0  }
0x93: {  	[sflag:s2] =	ssyncadd.s32 $0xFFFFFC00  }
0x94: {  	s29 =	simm.s32 $0x5E20;
	s25 =	simm.s32 $0x0;
	[bflag:$0x0] =	sbarrier.arrive $0xFFFF  }
0x95: {  	[tilespmem:s29], [sflag:$0x1] =	stream.indirect.gather [hbm4b:s1+s6], $0x40, s25, s6, $0xb8;
	[tilespmem:$0x19320] =	vst v63  }
0x96: {  	_ = 	snop  }
0x97: {  	[tilespmem:s7], [sflag:$0x2] =	stream.indirect.gather [hbm4b:s1+s6], $0x40, s6, s6, $0xb8;
	[tilespmem:$0x19320] =	vst v63  }
0x98: {  	p0 =	por $0x1, $0x1;
	s30 =	simm.s32 $0xA0  }
0x99: {  	[tilespmem:s8], [sflag:$0x3] =	stream.indirect.gather [hbm4b:s1+s6], $0x40, s30, s6, $0xb8;
	[tilespmem:$0x19320] =	vst v63  }
0x9a: {  	s31 =	simm.s32 $0xF0;
	s26 =	simm.s32 @p0 $0x1  }
0x9b: {  	[tilespmem:s10], [sflag:$0x4] =	stream.indirect.gather [hbm4b:s1+s6], $0x40, s31, s6, $0xb8;
	[tilespmem:$0x19320] =	vst v63  }
0x9c: {  	s28 =	simm.s32 @p0 $0x140;
	s29 =	simm.s32 @p0 $0x50;
	s30 =	simm.s32 @p0 $0xAE20  }
0x9d: {  	[tilespmem:s30], [sflag:$0x5] =	stream.indirect.gather @p0 [hbm4b:s1+s29], $0x40, s28, s29, $0xb8;
	[tilespmem:$0x19320] =	vst v63  }
0x9e: {  	_ =	swait.ge @p0 [sflag:s26], $0x1400  }
0x9f: {  	[sflag:s26] =	ssyncset.done @p0 $0x0  }
0xa0: {  	s28 =	simm.s32 @p0 $0x5E20;
	[sflag:s26] =	ssyncadd.s32 @p0 $0xFFFFEC00;
	s26 =	simm.s32 @p0 $0x2710  }
0xa1: {  	[spmem:s3] =	stream.indirect.scatter.add.bf16 @p0 [tilespmem:s28], [sflag:$0x6], $0x40, s26, s29, $0xb8;
	[tilespmem:$0x19320] =	vst v63  }
0xa2: {  	s30 =	simm.s32 @!p0 $0xA;
	s28 =	simm.s32 @p0 $0x16220  }
0xa3: {  	[spmem:s4] =	stream.indirect.scatter.add.f32 @p0 [tilespmem:s28], [sflag:$0xB], $0x10, s26, s29, $0xb8;
	[tilespmem:$0x19320] =	vst v63  }
0xa4: {  	_ =	swait.ge @!p0 [sflag:s30], $0x1400  }
0xa5: {  	s26 =	simm.s32 @!p0 $0x1;
	s28 =	simm.s32 @!p0 $0xAE20;
	[sflag:s30] =	ssyncset.done @!p0 $0x0  }
0xa6: {  	s29 =	simm.s32 @!p0 $0x140;
	[sflag:s30] =	ssyncadd.s32 @!p0 $0xFFFFEC00;
	s30 =	simm.s32 @!p0 $0x50  }
0xa7: {  	[tilespmem:s28], [sflag:$0x5] =	stream.indirect.gather @!p0 [hbm4b:s1+s30], $0x40, s29, s30, $0xb8;
	[tilespmem:$0x19320] =	vst v63  }
0xa8: {  	_ =	swait.ge @!p0 [sflag:s26], $0x1400  }
0xa9: {  	[sflag:s26] =	ssyncset.done @!p0 $0x0  }
0xaa: {  	s28 =	simm.s32 @!p0 $0x5E20;
	[sflag:s26] =	ssyncadd.s32 @!p0 $0xFFFFEC00;
	s26 =	simm.s32 @!p0 $0x2710  }
0xab: {  	[spmem:s3] =	stream.indirect.scatter.add.bf16 @!p0 [tilespmem:s28], [sflag:$0x6], $0x40, s26, s30, $0xb8;
	[tilespmem:$0x19320] =	vst v63  }
0xac: {  	s29 =	simm.s32 @!p0 $0xB;
	s28 =	simm.s32 @!p0 $0x16220  }
0xad: {  	[spmem:s4] =	stream.indirect.scatter.add.f32 @!p0 [tilespmem:s28], [sflag:$0xB], $0x10, s26, s30, $0xb8;
	[tilespmem:$0x19320] =	vst v63  }
0xae: {  	_ =	swait.ge @!p0 [sflag:s29], $0x500  }
0xaf: {  	[sflag:s29] =	ssyncset.done @!p0 $0x0  }
0xb0: {  	[sflag:s29] =	ssyncadd.s32 @!p0 $0xFFFFFB00  }
0xb1: {  	p0 =	por $0x0, $0x0;
	_ =	swait.ge [sflag:s12], $0x1400  }
0xb2: {  	s26 =	simm.s32 @!p0 $0x5E20;
	[sflag:s12] =	ssyncset.done $0x0  }
0xb3: {  	s28 =	simm.s32 @!p0 $0x190;
	s29 =	simm.s32 @!p0 $0x50;
	[sflag:s12] =	ssyncadd.s32 $0xFFFFEC00  }
0xb4: {  	[tilespmem:s26], [sflag:$0x1] =	stream.indirect.gather @!p0 [hbm4b:s1+s29], $0x40, s28, s29, $0xb8;
	[tilespmem:$0x19320] =	vst v63  }
0xb5: {  	s25 =	simm.s32 @p0 $0x9600;
	_ =	swait.ge [sflag:s13], $0x1400  }
0xb6: {  	s11 =	sshra.s32 s25, $0x2;
	[sflag:s13] =	ssyncset.done $0x0  }
0xb7: {  	s22 =	sadd.s32 $0x2760, s11;
	[sflag:s13] =	ssyncadd.s32 $0xFFFFEC00  }
0xb8: {  	[spmem:s3] =	stream.indirect.scatter.add.bf16 [tilespmem:s7], [sflag:$0x7], $0x40, s22, s6, $0xb8;
	[tilespmem:$0x19320] =	vst v63  }
0xb9: {  	_ = 	snop  }
0xba: {  	[spmem:s4] =	stream.indirect.scatter.add.f32 [tilespmem:s14], [sflag:$0xB], $0x10, s22, s6, $0xb8;
	[tilespmem:$0x19320] =	vst v63  }
0xbb: {  	_ =	swait.ge [sflag:s15], $0x500  }
0xbc: {  	[sflag:s15] =	ssyncset.done $0x0  }
0xbd: {  	[sflag:s15] =	ssyncadd.s32 $0xFFFFFB00  }
0xbe: {  	_ =	swait.ge [sflag:s16], $0x1400  }
0xbf: {  	s25 =	sshra.s32 @!p0 s25, $0x2;
	[sflag:s16] =	ssyncset.done $0x0  }
0xc0: {  	s30 =	simm.s32 @!p0 $0x7220;
	s28 =	sadd.s32 @!p0 $0x1E0, s25;
	[sflag:s16] =	ssyncadd.s32 $0xFFFFEC00  }
0xc1: {  	[tilespmem:s30], [sflag:$0x2] =	stream.indirect.gather @!p0 [hbm4b:s1+s29], $0x40, s28, s29, $0xb8;
	[tilespmem:$0x19320] =	vst v63  }
0xc2: {  	_ =	swait.ge [sflag:s17], $0x1400  }
0xc3: {  	[sflag:s17] =	ssyncset.done $0x0  }
0xc4: {  	s23 =	sadd.s32 $0x27B0, s11;
	[sflag:s17] =	ssyncadd.s32 $0xFFFFEC00  }
0xc5: {  	[spmem:s3] =	stream.indirect.scatter.add.bf16 [tilespmem:s8], [sflag:$0x8], $0x40, s23, s6, $0xb8;
	[tilespmem:$0x19320] =	vst v63  }
0xc6: {  	_ = 	snop  }
0xc7: {  	[spmem:s4] =	stream.indirect.scatter.add.f32 [tilespmem:s14], [sflag:$0xB], $0x10, s23, s6, $0xb8;
	[tilespmem:$0x19320] =	vst v63  }
0xc8: {  	_ =	swait.ge [sflag:s15], $0x500  }
0xc9: {  	[sflag:s15] =	ssyncset.done $0x0  }
0xca: {  	[sflag:s15] =	ssyncadd.s32 $0xFFFFFB00  }
0xcb: {  	_ =	swait.ge [sflag:s18], $0x1400  }
0xcc: {  	[sflag:s18] =	ssyncset.done $0x0  }
0xcd: {  	s28 =	sadd.s32 @!p0 $0x230, s25;
	s30 =	simm.s32 @!p0 $0x8620;
	[sflag:s18] =	ssyncadd.s32 $0xFFFFEC00  }
0xce: {  	[tilespmem:s30], [sflag:$0x3] =	stream.indirect.gather @!p0 [hbm4b:s1+s29], $0x40, s28, s29, $0xb8;
	[tilespmem:$0x19320] =	vst v63  }
0xcf: {  	_ =	swait.ge [sflag:s19], $0x1400  }
0xd0: {  	[sflag:s19] =	ssyncset.done $0x0  }
0xd1: {  	s26 =	sadd.s32 $0x2800, s11;
	[sflag:s19] =	ssyncadd.s32 $0xFFFFEC00  }
0xd2: {  	[spmem:s3] =	stream.indirect.scatter.add.bf16 [tilespmem:s10], [sflag:$0x9], $0x40, s26, s6, $0xb8;
	[tilespmem:$0x19320] =	vst v63  }
0xd3: {  	_ = 	snop  }
0xd4: {  	[spmem:s4] =	stream.indirect.scatter.add.f32 [tilespmem:s14], [sflag:$0xB], $0x10, s26, s6, $0xb8;
	[tilespmem:$0x19320] =	vst v63  }
0xd5: {  	_ =	swait.ge [sflag:s15], $0x500  }
0xd6: {  	[sflag:s15] =	ssyncset.done $0x0  }
0xd7: {  	[sflag:s15] =	ssyncadd.s32 $0xFFFFFB00  }
0xd8: {  	_ =	swait.ge [sflag:s20], $0x1400  }
0xd9: {  	[sflag:s20] =	ssyncset.done $0x0  }
0xda: {  	s25 =	sadd.s32 @!p0 $0x280, s25;
	s26 =	simm.s32 @!p0 $0x9A20;
	[sflag:s20] =	ssyncadd.s32 $0xFFFFEC00  }
0xdb: {  	[tilespmem:s26], [sflag:$0x4] =	stream.indirect.gather @!p0 [hbm4b:s1+s29], $0x40, s25, s29, $0xb8;
	[tilespmem:$0x19320] =	vst v63  }
0xdc: {  	_ =	swait.ge [sflag:s21], $0x1400  }
0xdd: {  	[sflag:s21] =	ssyncset.done $0x0  }
0xde: {  	s31 =	simm.s32 $0x2850;
	s30 =	rddreg [dreg:$0x5];
	[sflag:s21] =	ssyncadd.s32 $0xFFFFEC00  }
0xdf: {  	[spmem:s3] =	stream.indirect.scatter.add.bf16 [tilespmem:s30], [sflag:$0xA], $0x40, s31, s6, $0xb8;
	[tilespmem:$0x19320] =	vst v63  }
0xe0: {  	_ = 	snop  }
0xe1: {  	[spmem:s4] =	stream.indirect.scatter.add.f32 [tilespmem:s14], [sflag:$0xB], $0x10, s31, s6, $0xb8;
	[tilespmem:$0x19320] =	vst v63  }
0xe2: {  	p1 =	por $0x0, $0x0;
	_ =	swait.ge [sflag:s15], $0x500  }
0xe3: {  	s25 =	simm.s32 $0x640;
	s26 =	simm.s32 $0xC80;
	[sflag:s15] =	ssyncset.done $0x0  }
.LBB2_4:
0xe4: {  	s28 =	sshra.s32 @p1 s25, $0x2;
	s29 =	simm.s32 @p1 $0x1;
	[sflag:s15] =	ssyncadd.s32 $0xFFFFFB00  }
0xe5: {  	s30 =	simm.s32 @p1 $0x50;
	s31 =	simm.s32 @p1 $0xAE20;
	s28 =	sadd.s32 @p1 $0x140, s28  }
0xe6: {  	[tilespmem:s31], [sflag:$0x5] =	stream.indirect.gather @p1 [hbm4b:s1+s30], $0x40, s28, s30, $0xb8;
	[tilespmem:$0x19320] =	vst v63  }
0xe7: {  	_ =	swait.ge @p1 [sflag:s29], $0x1400  }
0xe8: {  	[sflag:s29] =	ssyncset.done @p1 $0x0  }
0xe9: {  	s31 =	simm.s32 @p1 $0x5E20;
	[sflag:s29] =	ssyncadd.s32 @p1 $0xFFFFEC00;
	s29 =	simm.s32 @p1 $0x2710  }
0xea: {  	[spmem:s3] =	stream.indirect.scatter.add.bf16 @p1 [tilespmem:s31], [sflag:$0x6], $0x40, s29, s30, $0xb8;
	[tilespmem:$0x19320] =	vst v63  }
0xeb: {  	s23 =	simm.s32 @!p1 $0xA;
	s31 =	simm.s32 @p1 $0x16220  }
0xec: {  	[spmem:s4] =	stream.indirect.scatter.add.f32 @p1 [tilespmem:s31], [sflag:$0xB], $0x10, s29, s30, $0xb8;
	[tilespmem:$0x19320] =	vst v63  }
0xed: {  	s22 =	simm.s32 @!p1 $0x50;
	_ =	swait.ge @!p1 [sflag:s23], $0x1400  }
0xee: {  	s29 =	simm.s32 @!p1 $0x1;
	s30 =	sshra.s32 @!p1 s25, $0x2;
	[sflag:s23] =	ssyncset.done @!p1 $0x0  }
0xef: {  	s31 =	simm.s32 @!p1 $0xAE20;
	[sflag:s23] =	ssyncadd.s32 @!p1 $0xFFFFEC00;
	s23 =	sadd.s32 @!p1 $0x140, s30  }
0xf0: {  	[tilespmem:s31], [sflag:$0x5] =	stream.indirect.gather @!p1 [hbm4b:s1+s22], $0x40, s23, s22, $0xb8;
	[tilespmem:$0x19320] =	vst v63  }
0xf1: {  	_ =	swait.ge @!p1 [sflag:s29], $0x1400  }
0xf2: {  	[sflag:s29] =	ssyncset.done @!p1 $0x0  }
0xf3: {  	s23 =	sadd.s32 @!p1 $0x2710, s30;
	[sflag:s29] =	ssyncadd.s32 @!p1 $0xFFFFEC00;
	s29 =	simm.s32 @!p1 $0x5E20  }
0xf4: {  	[spmem:s3] =	stream.indirect.scatter.add.bf16 @!p1 [tilespmem:s29], [sflag:$0x6], $0x40, s23, s22, $0xb8;
	[tilespmem:$0x19320] =	vst v63  }
0xf5: {  	s30 =	simm.s32 @!p1 $0xB;
	s29 =	simm.s32 @!p1 $0x16220  }
0xf6: {  	[spmem:s4] =	stream.indirect.scatter.add.f32 @!p1 [tilespmem:s29], [sflag:$0xB], $0x10, s23, s22, $0xb8;
	[tilespmem:$0x19320] =	vst v63  }
0xf7: {  	_ =	swait.ge @!p1 [sflag:s30], $0x500  }
0xf8: {  	[sflag:s30] =	ssyncset.done @!p1 $0x0  }
0xf9: {  	[sflag:s30] =	ssyncadd.s32 @!p1 $0xFFFFFB00  }
0xfa: {  	p1 =	seq.s32 s25, $0x9600;
	_ =	swait.ge [sflag:s12], $0x1400  }
0xfb: {  	s22 =	sshra.s32 @!p1 s25, $0x2;
	s23 =	simm.s32 @!p1 $0x5E20;
	[sflag:s12] =	ssyncset.done $0x0  }
0xfc: {  	s29 =	simm.s32 @!p1 $0x50;
	s22 =	sadd.s32 @!p1 $0x190, s22;
	[sflag:s12] =	ssyncadd.s32 $0xFFFFEC00  }
0xfd: {  	[tilespmem:s23], [sflag:$0x1] =	stream.indirect.gather @!p1 [hbm4b:s1+s29], $0x40, s22, s29, $0xb8;
	[tilespmem:$0x19320] =	vst v63  }
0xfe: {  	s22 =	smov.u32 s25  }
0xff: {  	s22 =	simm.s32 @p1 $0x9600;
	_ =	swait.ge [sflag:s13], $0x1400  }
0x100: {  	[sflag:s13] =	ssyncset.done $0x0;
	s23 =	sshra.s32 s22, $0x2  }
0x101: {  	[sflag:s13] =	ssyncadd.s32 $0xFFFFEC00;
	s31 =	sadd.s32 $0x2760, s23  }
0x102: {  	[spmem:s3] =	stream.indirect.scatter.add.bf16 [tilespmem:s7], [sflag:$0x7], $0x40, s31, s6, $0xb8;
	[tilespmem:$0x19320] =	vst v63  }
0x103: {  	_ = 	snop  }
0x104: {  	[spmem:s4] =	stream.indirect.scatter.add.f32 [tilespmem:s14], [sflag:$0xB], $0x10, s31, s6, $0xb8;
	[tilespmem:$0x19320] =	vst v63  }
0x105: {  	_ =	swait.ge [sflag:s15], $0x500  }
0x106: {  	[sflag:s15] =	ssyncset.done $0x0  }
0x107: {  	[sflag:s15] =	ssyncadd.s32 $0xFFFFFB00  }
0x108: {  	s22 =	sshra.s32 @!p1 s22, $0x2;
	_ =	swait.ge [sflag:s16], $0x1400  }
0x109: {  	s9 =	sadd.s32 @!p1 $0x1E0, s22;
	s11 =	sadd.s32 @!p1 $0x230, s22;
	[sflag:s16] =	ssyncset.done $0x0  }
0x10a: {  	s30 =	sadd.s32 @!p1 $0x280, s22;
	s22 =	simm.s32 @!p1 $0x7220;
	[sflag:s16] =	ssyncadd.s32 $0xFFFFEC00  }
0x10b: {  	[tilespmem:s22], [sflag:$0x2] =	stream.indirect.gather @!p1 [hbm4b:s1+s29], $0x40, s9, s29, $0xb8;
	[tilespmem:$0x19320] =	vst v63  }
0x10c: {  	_ =	swait.ge [sflag:s17], $0x1400  }
0x10d: {  	[sflag:s17] =	ssyncset.done $0x0  }
0x10e: {  	s22 =	sadd.s32 $0x27B0, s23;
	[sflag:s17] =	ssyncadd.s32 $0xFFFFEC00  }
0x10f: {  	[spmem:s3] =	stream.indirect.scatter.add.bf16 [tilespmem:s8], [sflag:$0x8], $0x40, s22, s6, $0xb8;
	[tilespmem:$0x19320] =	vst v63  }
0x110: {  	_ = 	snop  }
0x111: {  	[spmem:s4] =	stream.indirect.scatter.add.f32 [tilespmem:s14], [sflag:$0xB], $0x10, s22, s6, $0xb8;
	[tilespmem:$0x19320] =	vst v63  }
0x112: {  	_ =	swait.ge [sflag:s15], $0x500  }
0x113: {  	[sflag:s15] =	ssyncset.done $0x0  }
0x114: {  	[sflag:s15] =	ssyncadd.s32 $0xFFFFFB00  }
0x115: {  	_ =	swait.ge [sflag:s18], $0x1400  }
0x116: {  	[sflag:s18] =	ssyncset.done $0x0  }
0x117: {  	s9 =	simm.s32 @!p1 $0x8620;
	[sflag:s18] =	ssyncadd.s32 $0xFFFFEC00  }
0x118: {  	[tilespmem:s9], [sflag:$0x3] =	stream.indirect.gather @!p1 [hbm4b:s1+s29], $0x40, s11, s29, $0xb8;
	[tilespmem:$0x19320] =	vst v63  }
0x119: {  	_ =	swait.ge [sflag:s19], $0x1400  }
0x11a: {  	[sflag:s19] =	ssyncset.done $0x0  }
0x11b: {  	s23 =	sadd.s32 $0x2800, s23;
	[sflag:s19] =	ssyncadd.s32 $0xFFFFEC00  }
0x11c: {  	[spmem:s3] =	stream.indirect.scatter.add.bf16 [tilespmem:s10], [sflag:$0x9], $0x40, s23, s6, $0xb8;
	[tilespmem:$0x19320] =	vst v63  }
0x11d: {  	_ = 	snop  }
0x11e: {  	[spmem:s4] =	stream.indirect.scatter.add.f32 [tilespmem:s14], [sflag:$0xB], $0x10, s23, s6, $0xb8;
	[tilespmem:$0x19320] =	vst v63  }
0x11f: {  	_ =	swait.ge [sflag:s15], $0x500  }
0x120: {  	[sflag:s15] =	ssyncset.done $0x0  }
0x121: {  	[sflag:s15] =	ssyncadd.s32 $0xFFFFFB00  }
0x122: {  	_ =	swait.ge [sflag:s20], $0x1400  }
0x123: {  	[sflag:s20] =	ssyncset.done $0x0  }
0x124: {  	s9 =	simm.s32 @!p1 $0x9A20;
	[sflag:s20] =	ssyncadd.s32 $0xFFFFEC00  }
0x125: {  	[tilespmem:s9], [sflag:$0x4] =	stream.indirect.gather @!p1 [hbm4b:s1+s29], $0x40, s30, s29, $0xb8;
	[tilespmem:$0x19320] =	vst v63  }
0x126: {  	s28 =	smov.u32 s26;
	s26 =	sadd.s32 $0x640, s26;
	_ =	swait.ge [sflag:s21], $0x1400  }
0x127: {  	p0 =	sne.s32 s26, $0x9C40;
	s31 =	sshra.s32 s25, $0x2;
	[sflag:s21] =	ssyncset.done $0x0  }
0x128: {  	s11 =	sadd.s32 $0x2850, s31;
	s30 =	rddreg [dreg:$0x5];
	[sflag:s21] =	ssyncadd.s32 $0xFFFFEC00  }
0x129: {  	[spmem:s3] =	stream.indirect.scatter.add.bf16 [tilespmem:s30], [sflag:$0xA], $0x40, s11, s6, $0xb8;
	[tilespmem:$0x19320] =	vst v63  }
.Ltmp1:
0x12a: {  	_ = 	snop;
	(pc) =	sbr.rel @p0 .LBB2_4-.Ltmp1, $4  }
0x12b: {  	_ = 	snop  }
0x12c: {  	[spmem:s4] =	stream.indirect.scatter.add.f32 [tilespmem:s14], [sflag:$0xB], $0x10, s11, s6, $0xb8;
	[tilespmem:$0x19320] =	vst v63  }
0x12d: {  	s25 =	smov.u32 s28;
	_ =	swait.ge [sflag:s15], $0x500  }
0x12e: {  	p1 =	seq.s32 s25, $0x0;
	[sflag:s15] =	ssyncset.done $0x0  }
0x12f: {  	s9 =	sshra.s32 @p1 s25, $0x2;
	s11 =	simm.s32 @p1 $0x1;
	[sflag:s15] =	ssyncadd.s32 $0xFFFFFB00  }
0x130: {  	s22 =	simm.s32 @p1 $0x50;
	s23 =	simm.s32 @p1 $0xAE20;
	s9 =	sadd.s32 @p1 $0x140, s9  }
0x131: {  	[tilespmem:s23], [sflag:$0x5] =	stream.indirect.gather @p1 [hbm4b:s1+s22], $0x40, s9, s22, $0xb8;
	[tilespmem:$0x19320] =	vst v63  }
0x132: {  	_ =	swait.ge @p1 [sflag:s11], $0x1400  }
0x133: {  	[sflag:s11] =	ssyncset.done @p1 $0x0  }
0x134: {  	s9 =	simm.s32 @p1 $0x2710;
	[sflag:s11] =	ssyncadd.s32 @p1 $0xFFFFEC00;
	s11 =	simm.s32 @p1 $0x5E20  }
0x135: {  	[spmem:s3] =	stream.indirect.scatter.add.bf16 @p1 [tilespmem:s11], [sflag:$0x6], $0x40, s9, s22, $0xb8;
	[tilespmem:$0x19320] =	vst v63  }
0x136: {  	s23 =	simm.s32 @!p1 $0xA;
	s11 =	simm.s32 @p1 $0x16220  }
0x137: {  	[spmem:s4] =	stream.indirect.scatter.add.f32 @p1 [tilespmem:s11], [sflag:$0xB], $0x10, s9, s22, $0xb8;
	[tilespmem:$0x19320] =	vst v63  }
0x138: {  	s26 =	simm.s32 @!p1 $0x50;
	_ =	swait.ge @!p1 [sflag:s23], $0x1400  }
0x139: {  	s9 =	simm.s32 @!p1 $0x1;
	s11 =	sshra.s32 @!p1 s25, $0x2;
	[sflag:s23] =	ssyncset.done @!p1 $0x0  }
0x13a: {  	s22 =	simm.s32 @!p1 $0xAE20;
	[sflag:s23] =	ssyncadd.s32 @!p1 $0xFFFFEC00;
	s23 =	sadd.s32 @!p1 $0x140, s11  }
0x13b: {  	[tilespmem:s22], [sflag:$0x5] =	stream.indirect.gather @!p1 [hbm4b:s1+s26], $0x40, s23, s26, $0xb8;
	[tilespmem:$0x19320] =	vst v63  }
0x13c: {  	_ =	swait.ge @!p1 [sflag:s9], $0x1400  }
0x13d: {  	[sflag:s9] =	ssyncset.done @!p1 $0x0  }
0x13e: {  	[sflag:s9] =	ssyncadd.s32 @!p1 $0xFFFFEC00;
	s9 =	sadd.s32 @!p1 $0x2710, s11;
	s11 =	simm.s32 @!p1 $0x5E20  }
0x13f: {  	[spmem:s3] =	stream.indirect.scatter.add.bf16 @!p1 [tilespmem:s11], [sflag:$0x6], $0x40, s9, s26, $0xb8;
	[tilespmem:$0x19320] =	vst v63  }
0x140: {  	s22 =	simm.s32 @!p1 $0xB;
	s11 =	simm.s32 @!p1 $0x16220  }
0x141: {  	[spmem:s4] =	stream.indirect.scatter.add.f32 @!p1 [tilespmem:s11], [sflag:$0xB], $0x10, s9, s26, $0xb8;
	[tilespmem:$0x19320] =	vst v63  }
0x142: {  	_ =	swait.ge @!p1 [sflag:s22], $0x500  }
0x143: {  	[sflag:s22] =	ssyncset.done @!p1 $0x0  }
0x144: {  	[sflag:s22] =	ssyncadd.s32 @!p1 $0xFFFFFB00  }
0x145: {  	p0 =	seq.s32 s25, $0x9600;
	_ =	swait.ge [sflag:s12], $0x1400  }
0x146: {  	s9 =	sshra.s32 @!p0 s25, $0x2;
	s11 =	simm.s32 @!p0 $0x5E20;
	[sflag:s12] =	ssyncset.done $0x0  }
0x147: {  	s9 =	sadd.s32 @!p0 $0x190, s9;
	s22 =	simm.s32 @!p0 $0x50;
	[sflag:s12] =	ssyncadd.s32 $0xFFFFEC00  }
0x148: {  	[tilespmem:s11], [sflag:$0x1] =	stream.indirect.gather @!p0 [hbm4b:s1+s22], $0x40, s9, s22, $0xb8;
	[tilespmem:$0x19320] =	vst v63  }
0x149: {  	s9 =	smov.u32 s25  }
0x14a: {  	s9 =	simm.s32 @p0 $0x9600;
	_ =	swait.ge [sflag:s13], $0x1400  }
0x14b: {  	[sflag:s13] =	ssyncset.done $0x0;
	s28 =	sshra.s32 s9, $0x2  }
0x14c: {  	[sflag:s13] =	ssyncadd.s32 $0xFFFFEC00;
	s29 =	sadd.s32 $0x2760, s28  }
0x14d: {  	[spmem:s3] =	stream.indirect.scatter.add.bf16 [tilespmem:s7], [sflag:$0x7], $0x40, s29, s6, $0xb8;
	[tilespmem:$0x19320] =	vst v63  }
0x14e: {  	_ = 	snop  }
0x14f: {  	[spmem:s4] =	stream.indirect.scatter.add.f32 [tilespmem:s14], [sflag:$0xB], $0x10, s29, s6, $0xb8;
	[tilespmem:$0x19320] =	vst v63  }
0x150: {  	_ =	swait.ge [sflag:s15], $0x500  }
0x151: {  	[sflag:s15] =	ssyncset.done $0x0  }
0x152: {  	[sflag:s15] =	ssyncadd.s32 $0xFFFFFB00  }
0x153: {  	_ =	swait.ge [sflag:s16], $0x1400  }
0x154: {  	s9 =	sshra.s32 @!p0 s9, $0x2;
	[sflag:s16] =	ssyncset.done $0x0  }
0x155: {  	s26 =	simm.s32 @!p0 $0x7220;
	s23 =	sadd.s32 @!p0 $0x1E0, s9;
	[sflag:s16] =	ssyncadd.s32 $0xFFFFEC00  }
0x156: {  	[tilespmem:s26], [sflag:$0x2] =	stream.indirect.gather @!p0 [hbm4b:s1+s22], $0x40, s23, s22, $0xb8;
	[tilespmem:$0x19320] =	vst v63  }
0x157: {  	_ =	swait.ge [sflag:s17], $0x1400  }
0x158: {  	[sflag:s17] =	ssyncset.done $0x0  }
0x159: {  	s30 =	sadd.s32 $0x27B0, s28;
	[sflag:s17] =	ssyncadd.s32 $0xFFFFEC00  }
0x15a: {  	[spmem:s3] =	stream.indirect.scatter.add.bf16 [tilespmem:s8], [sflag:$0x8], $0x40, s30, s6, $0xb8;
	[tilespmem:$0x19320] =	vst v63  }
0x15b: {  	_ = 	snop  }
0x15c: {  	[spmem:s4] =	stream.indirect.scatter.add.f32 [tilespmem:s14], [sflag:$0xB], $0x10, s30, s6, $0xb8;
	[tilespmem:$0x19320] =	vst v63  }
0x15d: {  	_ =	swait.ge [sflag:s15], $0x500  }
0x15e: {  	[sflag:s15] =	ssyncset.done $0x0  }
0x15f: {  	[sflag:s15] =	ssyncadd.s32 $0xFFFFFB00  }
0x160: {  	_ =	swait.ge [sflag:s18], $0x1400  }
0x161: {  	[sflag:s18] =	ssyncset.done $0x0  }
0x162: {  	s23 =	sadd.s32 @!p0 $0x230, s9;
	s26 =	simm.s32 @!p0 $0x8620;
	[sflag:s18] =	ssyncadd.s32 $0xFFFFEC00  }
0x163: {  	[tilespmem:s26], [sflag:$0x3] =	stream.indirect.gather @!p0 [hbm4b:s1+s22], $0x40, s23, s22, $0xb8;
	[tilespmem:$0x19320] =	vst v63  }
0x164: {  	_ =	swait.ge [sflag:s19], $0x1400  }
0x165: {  	[sflag:s19] =	ssyncset.done $0x0  }
0x166: {  	s11 =	sadd.s32 $0x2800, s28;
	[sflag:s19] =	ssyncadd.s32 $0xFFFFEC00  }
0x167: {  	[spmem:s3] =	stream.indirect.scatter.add.bf16 [tilespmem:s10], [sflag:$0x9], $0x40, s11, s6, $0xb8;
	[tilespmem:$0x19320] =	vst v63  }
0x168: {  	_ = 	snop  }
0x169: {  	[spmem:s4] =	stream.indirect.scatter.add.f32 [tilespmem:s14], [sflag:$0xB], $0x10, s11, s6, $0xb8;
	[tilespmem:$0x19320] =	vst v63  }
0x16a: {  	_ =	swait.ge [sflag:s15], $0x500  }
0x16b: {  	[sflag:s15] =	ssyncset.done $0x0  }
0x16c: {  	[sflag:s15] =	ssyncadd.s32 $0xFFFFFB00  }
0x16d: {  	_ =	swait.ge [sflag:s20], $0x1400  }
0x16e: {  	[sflag:s20] =	ssyncset.done $0x0  }
0x16f: {  	s9 =	sadd.s32 @!p0 $0x280, s9;
	s11 =	simm.s32 @!p0 $0x9A20;
	[sflag:s20] =	ssyncadd.s32 $0xFFFFEC00  }
0x170: {  	[tilespmem:s11], [sflag:$0x4] =	stream.indirect.gather @!p0 [hbm4b:s1+s22], $0x40, s9, s22, $0xb8;
	[tilespmem:$0x19320] =	vst v63  }
0x171: {  	_ =	swait.ge [sflag:s21], $0x1400  }
0x172: {  	s23 =	sshra.s32 s25, $0x2;
	[sflag:s21] =	ssyncset.done $0x0  }
0x173: {  	s11 =	sadd.s32 $0x2850, s23;
	s22 =	rddreg [dreg:$0x5];
	[sflag:s21] =	ssyncadd.s32 $0xFFFFEC00  }
0x174: {  	[spmem:s3] =	stream.indirect.scatter.add.bf16 [tilespmem:s22], [sflag:$0xA], $0x40, s11, s6, $0xb8;
	[tilespmem:$0x19320] =	vst v63  }
0x175: {  	_ = 	snop  }
0x176: {  	[spmem:s4] =	stream.indirect.scatter.add.f32 [tilespmem:s14], [sflag:$0xB], $0x10, s11, s6, $0xb8;
	[tilespmem:$0x19320] =	vst v63  }
0x177: {  	_ =	swait.ge [sflag:s15], $0x500  }
0x178: {  	[sflag:s15] =	ssyncset.done $0x0  }
0x179: {  	s25 =	simm.s32 $0xA;
	[sflag:s15] =	ssyncadd.s32 $0xFFFFFB00  }
0x17a: {  	_ =	swait.ge [sflag:s25], $0x1400  }
0x17b: {  	[sflag:s25] =	ssyncset.done $0x0  }
0x17c: {  	[sflag:s25] =	ssyncadd.s32 $0xFFFFEC00  }
0x17d: {  	_ =	swait.ge [sflag:s15], $0x500  }
0x17e: {  	[sflag:s15] =	ssyncset.done $0x0  }
0x17f: {  	s26 =	stileid.u32;
	[sflag:s15] =	ssyncadd.s32 $0xFFFFFB00  }
0x180: {  	s9 =	sshll.u32 s26, $0x6;
	[bflag:$0x0] =	sbarrier.arrive $0xFFFF  }
0x181: {  	s30 =	simm.s32 $0x10;
	s9 =	sor.u32 $0x1C0C, s9;
	s23 =	rddreg [dreg:$0x9]  }
0x182: {  	s25 =	simm.s32 $0x1;
	s29 =	rddreg [dreg:$0x8];
	s28 =	sshrl.u32 s23, $0x3  }
0x183: {  	[hbm:s29@s30], [sflag:s9] =	dma.strided [spmem:s28@s18], $0x1400, s25, $0x8   }
0x184: {  	_ =	swait.ge [sflag:s2], $0x1400  }
0x185: {  	[sflag:s2] =	ssyncset.done $0x0;
	s31 =	rddreg [dreg:$0xb]  }
0x186: {  	s29 =	rddreg [dreg:$0xa];
	[sflag:s2] =	ssyncadd.s32 $0xFFFFEC00;
	s28 =	sshrl.u32 s31, $0x3  }
0x187: {  	[hbm:s29@s19], [sflag:s9] =	dma.strided [spmem:s28@s13], $0x500, s25, $0x2   }
0x188: {  	_ =	swait.ge [sflag:s2], $0x500  }
0x189: {  	s24 =	sadd.s32 $0x1, s24;
	s30 =	rddreg [dreg:$0xc]  }
0x18a: {  	p0 =	sne.s32 s24, s30  }
.Ltmp2:
0x18b: {  	_ = 	snop;
	(pc) =	sbr.rel @p0 .LBB2_1-.Ltmp2, $3  }
0x18c: {  	_ =	sdelay $0x1  }
0x18d: {  	[sflag:s2] =	ssyncset.done $0x0  }
0x18e: {  	[sflag:s2] =	ssyncadd.s32 $0xFFFFFB00  }
0x18f: {  	_ =	sfence.sel $0x180000  }
0x190: {  	[bflag:$0x0] =	sbarrier.arrive $0xFFFF  }
0x191: {  	_ =	strace $0x90000047  }
0x192: {  	s0 =	stileid.u32;
	[bflag:$0x2] =	sbarrier.arrive $0xFFFF  }
0x193: {  	p0 =	sne.s32 s0, $0x0;
	s0 =	rddreg [dreg:$0x4]  }
0x194: {  	s0 =	sadd.s32 @!p0 $0x100000, s0  }
0x195: {  	[sflag:s0] =	ssyncadd.tile.s32 @!p0 $0x1;
	_ =	shalt  }
.Lfunc_end2:
_tile_overlayer_lowered:
.L_overlay_start_2:
0x196: {  	(tag) =	ssettag $0x2  }
0x197: {  	s0 =	rddreg [dreg:$0x0];
	s2 =	stileid.u32  }
0x198: {  	s1 =	rddreg [dreg:$0x1];
	p0 =	sne.s32 s2, $0x0  }
0x199: {  	s3 =	rddreg [dreg:$0x2];
	[bflag:$0x3] =	sbarrier.arrive $0xFFFF;
	s2 =	simm.s32 @!p0 $0x1C0C  }
0x19a: {  	[timem:s3], [sflag:s2] =	dma.local @!p0 [hbm:s0], s1  }
0x19b: {  	s0 =	simm.s32 @!p0 $0xC  }
0x19c: {  	_ =	swait.ge @!p0 [sflag:s0], s1  }
0x19d: {  	s1 =	ssub.s32 @!p0 $0x0, s1;
	[sflag:s0] =	ssyncset.done @!p0 $0x0  }
0x19e: {  	[sflag:s0] =	ssyncadd.s32 @!p0 s1  }
0x19f: {  	[bflag:$0x3] =	sbarrier.arrive $0xFFFF  }
0x1a0: {  	_ =	shalt  }

// kernel: kernel.9.cloned.1.call-start
scs
__scs_entry_jumppad:
0x0: {  	(pc) =	sbr.rel $0x88, $3  }
0x1: {  	(tag) =	ssettag $0x0;
	lr =	simm.s32 $0x1  }
0x2: {  	[smem:$0x3F9B] =	sst lr;
	_ =	strace $0xD0000000  }
0x3: {  	_ = 	snop  }
0x4: {  	_ = 	snop  }
0x5: {  	_ = 	snop  }
0x6: {  	_ = 	snop  }
0x7: {  	_ = 	snop  }
__scs_overlays_trampoline_lowered:
0x8: {  	[smem:$0x3FAA] =	sst s0  }
0x9: {  	[smem:$0x3FAB] =	sst s1  }
0xa: {  	[smem:$0x3FAC] =	sst s2  }
0xb: {  	[smem:$0x3FAD] =	sst s3  }
0xc: {  	[smem:$0x3FAE] =	sst s4  }
0xd: {  	[smem:$0x3FAF] =	sst s5  }
0xe: {  	[smem:$0x3FB0] =	sst s6  }
0xf: {  	[smem:$0x3FB1] =	sst s7  }
0x10: {  	[smem:$0x3FB2] =	sst s8  }
0x11: {  	[smem:$0x3FB3] =	sst s9;
	s0 =	simm.s32 @!p0 $0x0  }
0x12: {  	s1 =	sld [smem:$0x3F99];
	s0 =	simm.s32 @p0 $0x1  }
0x13: {  	[smem:$0x3FB4] =	sst s0;
	s0 =	simm.s32 @!p1 $0x0  }
0x14: {  	s2 =	sld [smem:$0x3F98];
	s0 =	simm.s32 @p1 $0x1  }
0x15: {  	[smem:$0x3FB5] =	sst s0;
	s0 =	simm.s32 @!p2 $0x0  }
0x16: {  	s3 =	sld [smem:$0x3FDB];
	s0 =	simm.s32 @p2 $0x1  }
0x17: {  	s4 =	simm.s32 $0x1BF5;
	[smem:$0x3FB7] =	sst s0  }
0x18: {  	s0 =	sld [smem:$0x3F9A];
	_ =	swait.ge [sflag:s4], $0x0  }
0x19: {  	s7 =	sld [smem:$0x3F9B]  }
0x1a: {  	s8 =	sadd.s32 $0xFFFFE003, lr  }
0x1b: {  	s9 =	sadd.s32 $0xFFFFFEF7, lr;
	s5 =	simm.s32 $0xFFFFFFFF;
	p2 =	slt.u32 s8, $0xFFFFF086  }
0x1c: {  	p1 =	slt.u32 s9, $0xF7A;
	s5 =	simm.s32 @!p2 $0x0  }
0x1d: {  	s5 =	simm.s32 @p1 $0x1;
	p0 =	seq.s32 s7, s2  }
0x1e: {  	s7 =	smul.u32 @!p0 $0xF7A, s2;
	p2 =	seq.s32 @!p0 s5, $0x0  }
0x1f: {  	s9 =	smul.u32 $0xF7A, s1;
	s8 =	simm.s32 @!p0 $0x1BF5;
	p2 =	por !p2, p0  }
0x20: {  	[sflag:s8] =	ssyncset.s32 @!p0 $0xFFFFF086;
	s6 =	sadd.s32 @!p0 s3, s7;
	s7 =	simm.s32 @!p0 $0x108  }
0x21: {  	s3 =	sadd.s32 s3, s9;
	s6 =	sadd.s32 @!p0 $0x88, s6;
	s7 =	simm.s32 @p2 $0x1082  }
0x22: {  	[simem:s7], [sflag:s8] =	dma.local @!p0 [hbm:s6], $0xF7A  }
0x23: {  	s9 =	sor.u32 $0xD0000000, s2;
	s6 =	simm.s32 $0x108;
	_ =	swait.ge @!p0 [sflag:s8], $0x0  }
0x24: {  	s3 =	sadd.s32 $0x88, s3;
	s6 =	simm.s32 @!p1 $0x1082;
	[sflag:s4] =	ssyncset.s32 $0xFFFFF086  }
0x25: {  	[simem:s6], [sflag:s4] =	dma.local [hbm:s3], $0xF7A  }
0x26: {  	[smem:$0x3F9B] =	sst s1;
	(tag) =	ssettag s2;
	_ =	strace s9  }
0x27: {  	s1 =	sld [smem:$0x3FAB]  }
0x28: {  	s2 =	sld [smem:$0x3FAC]  }
0x29: {  	s4 =	sld [smem:$0x3FAE]  }
0x2a: {  	p0 =	seq.s32 s5, $0x0;
	s5 =	sld [smem:$0x3FAF]  }
0x2b: {  	s6 =	sld [smem:$0x3FB0]  }
0x2c: {  	s7 =	sld [smem:$0x3FB1]  }
0x2d: {  	s3 =	simm.s32 $0x108;
	s8 =	sld [smem:$0x3FB2]  }
0x2e: {  	s3 =	simm.s32 @!p0 $0x1082;
	s9 =	sld [smem:$0x3FB3]  }
0x2f: {  	lr =	sadd.s32 s0, s3;
	s0 =	sld [smem:$0x3FAA]  }
0x30: {  	s3 =	sld [smem:$0x3FAD]  }
0x31: {  	[smem:$0x3FB6] =	sst s10  }
0x32: {  	s10 =	sld [smem:$0x3FB4];
	_ =	sdelay $0x3  }
0x33: {  	p0 =	seq.s32 s10, $0x1;
	s10 =	sld [smem:$0x3FB6];
	_ =	sdelay $0x3  }
0x34: {  	[smem:$0x3FB6] =	sst s10  }
0x35: {  	s10 =	sld [smem:$0x3FB5];
	_ =	sdelay $0x3  }
0x36: {  	p1 =	seq.s32 s10, $0x1;
	s10 =	sld [smem:$0x3FB6];
	_ =	sdelay $0x3  }
0x37: {  	[smem:$0x3FB6] =	sst s10  }
0x38: {  	s10 =	sld [smem:$0x3FB7]  }
0x39: {  	_ = 	snop;
	(pc) =	sbr.ind lr, $3  }
0x3a: {  	_ = 	snop  }
0x3b: {  	_ = 	snop  }
0x3c: {  	p2 =	seq.s32 s10, $0x1;
	s10 =	sld [smem:$0x3FB6]  }
0x3d: {  	_ =	shalt  }
0x3e: {  	_ =	shalt  }
0x3f: {  	_ =	shalt  }
0x40: {  	_ =	shalt  }
0x41: {  	_ =	shalt  }
0x42: {  	_ =	shalt  }
0x43: {  	_ =	shalt  }
0x44: {  	_ =	shalt  }
0x45: {  	_ =	shalt  }
0x46: {  	_ =	shalt  }
0x47: {  	_ =	shalt  }
0x48: {  	_ =	shalt  }
0x49: {  	_ =	shalt  }
0x4a: {  	_ =	shalt  }
0x4b: {  	_ =	shalt  }
0x4c: {  	_ =	shalt  }
0x4d: {  	_ =	shalt  }
0x4e: {  	_ =	shalt  }
0x4f: {  	_ =	shalt  }
0x50: {  	_ =	shalt  }
0x51: {  	_ =	shalt  }
0x52: {  	_ =	shalt  }
0x53: {  	_ =	shalt  }
0x54: {  	_ =	shalt  }
0x55: {  	_ =	shalt  }
0x56: {  	_ =	shalt  }
0x57: {  	_ =	shalt  }
0x58: {  	_ =	shalt  }
0x59: {  	_ =	shalt  }
0x5a: {  	_ =	shalt  }
0x5b: {  	_ =	shalt  }
0x5c: {  	_ =	shalt  }
0x5d: {  	_ =	shalt  }
0x5e: {  	_ =	shalt  }
0x5f: {  	_ =	shalt  }
0x60: {  	_ =	shalt  }
0x61: {  	_ =	shalt  }
0x62: {  	_ =	shalt  }
0x63: {  	_ =	shalt  }
0x64: {  	_ =	shalt  }
0x65: {  	_ =	shalt  }
0x66: {  	_ =	shalt  }
0x67: {  	_ =	shalt  }
0x68: {  	_ =	shalt  }
0x69: {  	_ =	shalt  }
0x6a: {  	_ =	shalt  }
0x6b: {  	_ =	shalt  }
0x6c: {  	_ =	shalt  }
0x6d: {  	_ =	shalt  }
0x6e: {  	_ =	shalt  }
0x6f: {  	_ =	shalt  }
0x70: {  	_ =	shalt  }
0x71: {  	_ =	shalt  }
0x72: {  	_ =	shalt  }
0x73: {  	_ =	shalt  }
0x74: {  	_ =	shalt  }
0x75: {  	_ =	shalt  }
0x76: {  	_ =	shalt  }
0x77: {  	_ =	shalt  }
0x78: {  	_ =	shalt  }
0x79: {  	_ =	shalt  }
0x7a: {  	_ =	shalt  }
0x7b: {  	_ =	shalt  }
0x7c: {  	_ =	shalt  }
0x7d: {  	_ =	shalt  }
0x7e: {  	_ =	shalt  }
0x7f: {  	_ =	shalt  }
0x80: {  	_ =	shalt  }
0x81: {  	_ =	shalt  }
0x82: {  	_ =	shalt  }
0x83: {  	_ =	shalt  }
0x84: {  	_ =	shalt  }
0x85: {  	_ =	shalt  }
0x86: {  	_ =	shalt  }
0x87: {  	_ =	shalt  }
.Lfunc_end0:
.L_simem_size_0:
called_computation.1_lowered:
.L_overlay_start_0:
0x88: {  	s2 =	sld [smem:$0x3FD9]  }
0x89: {  	s3 =	sld [smem:$0x3FFE];
	_ =	sdelay $0x1  }
0x8a: {  	s1 =	srdreg.scid  }
0x8b: {  	s0 =	sand.u32 $0x1, s1  }
0x8c: {  	s17 =	sshll.u32 s0, $0xA;
	s2 =	sadd.s32 s3, s2  }
0x8d: {  	s2 =	sadd.s32 s2, s17  }
0x8e: {  	[smem:$0x3FC2] =	sst s2  }
0x8f: {  	_ = 	snop  }
0x90: {  	s2 =	sld [smem:$0x3FD0];
	(tm) =	ssettm $0x1  }
0x91: {  	s18 =	sld [smem:$0x3FFB];
	_ =	sdelay $0x3  }
0x92: {  	_ =	strace s18  }
0x93: {  	s3 =	sld [smem:$0x3FFC];
	_ =	sdelay $0x3  }
0x94: {  	_ =	strace s3  }
0x95: {  	s3 =	sld [smem:$0x3FFD];
	_ =	sdelay $0x3  }
0x96: {  	_ =	strace s3  }
0x97: {  	_ =	strace $0x8FFFFFFF  }
0x98: {  	s19 =	sld [smem:$0x3FDB];
	_ =	sdelay $0x1  }
0x99: {  	s4 =	simm.s32 $_scs_section_size  }
0x9a: {  	s5 =	simm.s32 $_size__tile_overlayer_lowered;
	s6 =	simm.s32 $_tile_overlayer_lowered  }
0x9b: {  	s22 =	simm.s32 $0x1BFF;
	s21 =	sshll.u32 s6, $0x1;
	s3 =	sadd.s32 s4, s19  }
0x9c: {  	s7 =	simm.s32 $0x0;
	s20 =	sshll.u32 s5, $0x1;
	s5 =	sadd.s32 s21, s3  }
0x9d: {  	[timem:s7], [sflag:s22] =	dma.local [hbm:s5], s20  }
0x9e: {  	_ =	swait.ge [sflag:s22], s20  }
0x9f: {  	s4 =	ssub.s32 $0x0, s20;
	[sflag:s22] =	ssyncset.done $0x0  }
0xa0: {  	[sflag:s22] =	ssyncadd.s32 s4;
	_ =	sdelay $0x1  }
0xa1: {  	s23 =	simm.s32 $0x1B8B  }
0xa2: {  	_ =	swait.ge [sflag:s23], $0x1  }
0xa3: {  	[sflag:s23] =	ssyncset.done $0x0  }
0xa4: {  	s25 =	simm.s32 $0x1B8E;
	s24 =	sld [smem:$0x3FFE];
	[sflag:s23] =	ssyncadd.s32 $0xFFFFFFFF  }
0xa5: {  	s26 =	simm.s32 $execute0_lowered;
	[smem:$0x3FD2] =	sst s25  }
0xa6: {  	s5 =	sshll.u32 s26, $0x1;
	_ =	strace $0x80000049;
	[dreg:$0x1] =	wrdreg $0xFFFFFFFF  }
0xa7: {  	s28 =	simm.s32 $_size_execute0_lowered;
	s3 =	sadd.s32 s3, s5;
	[dreg:$0x0] =	wrdreg $0x0  }
0xa8: {  	s5 =	sshll.u32 s28, $0x1;
	[dreg:$0x2] =	wrdreg s3  }
0xa9: {  	[dreg:$0x3] =	wrdreg s5  }
0xaa: {  	[dreg:$0x4] =	wrdreg $0xC0  }
0xab: {  	_ =	task [dreg:s7], $0x5FFFF  }
0xac: {  	[dreg:$0x1] =	wrdreg $0xFFFFFFFF  }
0xad: {  	[dreg:$0x0] =	wrdreg $0x60  }
0xae: {  	[dreg:$0x2] =	wrdreg s2  }
0xaf: {  	[dreg:$0x3] =	wrdreg s24  }
0xb0: {  	[dreg:$0x4] =	wrdreg $0xC2200  }
0xb1: {  	[dreg:$0x5] =	wrdreg $0x9  }
0xb2: {  	_ =	task.clear_ibuf [dreg:s7], $0x6FFFF;
	_ =	strace $0x90000049  }
0xb3: {  	s29 =	simm.s32 $0x9;
	_ =	strace $0x8000004B  }
0xb4: {  	_ =	swait.ge [sflag:s29], $0x1  }
0xb5: {  	[sflag:s29] =	ssyncadd.s32 $0xFFFFFFFF  }
0xb6: {  	_ =	strace $0x9000004B  }
0xb7: {  	_ =	sfence  }
0xb8: {  	s30 =	sld [smem:$0x0];
	_ =	sdelay $0x2  }
0xb9: {  	s31 =	sshll.u32 s1, $0xD;
	s1 =	sshrl.u32 s1, $0x2  }
0xba: {  	s3 =	sand.u32 $0x4000, s31;
	s1 =	sadd.s32 s1, s30  }
0xbb: {  	s0 =	sor.u32 s3, s0;
	s1 =	sshll.u32 s1, $0x11  }
0xbc: {  	s0 =	sor.u32 s1, s0  }
0xbd: {  	s0 =	sadd.s32 $0x8F2B, s0  }
0xbe: {  	[sflag:s0] =	ssyncadd.remote.s32 $0x1  }
0xbf: {  	_ =	sfence.sel $0xFFFF  }
0xc0: {  	[dreg:$0x0] =	wrdreg $0xFFFFFFFF;
	(pc) =	sbr.abs _section_cstart, $3  }
0xc1: {  	[dreg:$0x1] =	wrdreg $0xFFFFFFFF  }
0xc2: {  	_ =	task.clear_ibuf [dreg:s7], $0x2FFFF;
	_ =	strace $0x9FFFFFFF  }
0xc3: {  	(tm) =	ssettm $0x7FFFFFFF  }
tec
execute0_lowered:
.L_overlay_start_1:
0x0: {  	(tag) =	ssettag $0x1  }
0x1: {  	s2 =	rddreg [dreg:$0x0]  }
0x2: {  	s0 =	rddreg [dreg:$0x1]  }
0x3: {  	s3 =	rddreg [dreg:$0x2];
	s1 =	srdreg.scid  }
0x4: {  	s5 =	stileid.u32;
	s6 =	simm.s32 $0x0;
	s29 =	simm.s32 $0x9A20  }
0x5: {  	s31 =	simm.s32 $0xAE20;
	s28 =	simm.s32 $0x2;
	s30 =	simm.s32 $0x3  }
0x6: {  	s8 =	simm.s32 $0x5;
	s9 =	simm.s32 $0xA;
	s10 =	simm.s32 $0x0  }
0x7: {  	s14 =	simm.s32 $0x10;
	s1 =	sand.u32 $0x1, s1;
	s4 =	sshll.u32 s5, $0x1  }
0x8: {  	s5 =	smul.u32 $0x28000, s5;
	[smem:$0x7FF] =	sst s6;
	s4 =	sor.u32 s1, s4  }
0x9: {  	s18 =	sshll.u32 s1, $0x7;
	_ =	strace $0x8000004A;
	s1 =	ssub.s32 $0x2, s1  }
0xa: {  	s4 =	smul.u32 $0x2710, s4;
	s6 =	sor.u32 s18, s5;
	s19 =	sshrl.u32 s1, $0x1  }
0xb: {  	s5 =	sshrl.u32 s5, $0x2;
	s6 =	sshrl.u32 s6, $0x4;
	s1 =	ssub.s32 s1, s19  }
0xc: {  	s7 =	sadd.s32 s5, s3;
	s19 =	simm.s32 $0xB;
	s5 =	simm.s32 $0x4  }
0xd: {  	s4 =	sshrl.u32 s4, $0x3;
	s21 =	smax.u32 s1, $0x1;
	s22 =	sadd.s32 $0x1000, s7  }
0xe: {  	s23 =	sadd.s32 $0x2000, s7;
	s24 =	sadd.s32 $0x3000, s7;
	[dreg:$0x7] =	wrdreg s21  }
0xf: {  	s25 =	sadd.s32 $0x4000, s7;
	s26 =	sadd.s32 $0x5000, s7;
	[dreg:$0x8] =	wrdreg s22  }
0x10: {  	s15 =	sadd.s32 $0x6000, s7;
	s16 =	sadd.s32 $0x7000, s7;
	[dreg:$0x9] =	wrdreg s23  }
0x11: {  	s17 =	sadd.s32 $0x8000, s7;
	s18 =	sadd.s32 $0x9000, s7;
	[dreg:$0xa] =	wrdreg s24  }
0x12: {  	s1 =	simm.s32 $0x6;
	s4 =	sadd.s32 s4, s0;
	[dreg:$0xb] =	wrdreg s25  }
0x13: {  	s0 =	sadd.s32 s6, s0;
	[dreg:$0xc] =	wrdreg s26;
	s21 =	simm.s32 $0x4E20  }
0x14: {  	s22 =	simm.s32 $0x50;
	s23 =	simm.s32 $0x5E20;
	s20 =	sadd.s32 $0x2400, s4  }
0x15: {  	s24 =	simm.s32 $0x7220;
	s4 =	sadd.s32 $0xC040, s4;
	[dreg:$0x4] =	wrdreg s20  }
0x16: {  	s26 =	simm.s32 $0x8620;
	s0 =	sadd.s32 $0x15E00, s0;
	[dreg:$0x5] =	wrdreg s4  }
0x17: {  	s25 =	simm.s32 $0x7;
	s6 =	simm.s32 $0x9;
	[dreg:$0x6] =	wrdreg s0  }
0x18: {  	v0 =	vimm.bf16 $0.0e+00;
	s20 =	simm.s32 $0x2710;
	s0 =	simm.s32 $0x1;
	s4 =	simm.s32 $0x8  }
.LBB2_1:
0x19: {  	s11 =	simm.s32 $0x0;
	s12 =	rddreg [dreg:$0x4]  }
0x1a: {  	[tilespmem:s11], [sflag:$0xB] =	stream.linear.gather [hbm4b:s12+s11], $0x2710, $0x38;
	[tilespmem:$0x16220] =	vst v63  }
0x1b: {  	_ =	swait.ge [sflag:s19], $0x2710  }
0x1c: {  	[sflag:s19] =	ssyncset.done $0x0  }
0x1d: {  	s13 =	rddreg [dreg:$0x5];
	[sflag:s19] =	ssyncadd.s32 $0xFFFFD8F0  }
0x1e: {  	[tilespmem:s20], [sflag:$0xB] =	stream.linear.gather [hbm4b:s13+s11], $0x2710, $0x38;
	[tilespmem:$0x16220] =	vst v63  }
0x1f: {  	_ =	swait.ge [sflag:s19], $0x2710  }
0x20: {  	[sflag:s19] =	ssyncset.done $0x0  }
0x21: {  	s12 =	simm.s32 $0x100;
	s11 =	simm.s32 $0x0;
	[sflag:s19] =	ssyncadd.s32 $0xFFFFD8F0  }
.LBB2_2:
0x22: {  	p0 =	sne.s32 s12, $0x4F00;
	[tilespmem:s11+$0x4E50] =	vst v0;
	s13 =	smov.u32 s12;
	s12 =	sadd.s32 $0x100, s12  }
.Ltmp0:
0x23: {  	[tilespmem:s11+$0x4E40] =	vst v0;
	(pc) =	sbr.rel @p0 .LBB2_2-.Ltmp0, $3  }
0x24: {  	[tilespmem:s11+$0x4E20] =	vst v0  }
0x25: {  	[tilespmem:s11+$0x4E30] =	vst v0;
	_ =	sdelay $0x1  }
0x26: {  	s11 =	sshra.s32 s13, $0x2  }
0x27: {  	[tilespmem:s11+$0x4E50] =	vst v0  }
0x28: {  	[tilespmem:s11+$0x4E40] =	vst v0  }
0x29: {  	[tilespmem:s11+$0x4E20] =	vst v0  }
0x2a: {  	[tilespmem:s11+$0x4E30] =	vst v0  }
0x2b: {  	[spmem:s7] =	stream.linear.scatter [tilespmem:s21], [sflag:$0xB], $0x1000, $0x38;
	[tilespmem:$0x16220] =	vst v63  }
0x2c: {  	_ =	swait.ge [sflag:s19], $0x1000  }
0x2d: {  	[sflag:s19] =	ssyncset.done $0x0  }
0x2e: {  	s12 =	rddreg [dreg:$0x8];
	[sflag:s19] =	ssyncadd.s32 $0xFFFFF000  }
0x2f: {  	[spmem:s12] =	stream.linear.scatter [tilespmem:s21], [sflag:$0xB], $0x1000, $0x38;
	[tilespmem:$0x16220] =	vst v63  }
0x30: {  	_ =	swait.ge [sflag:s19], $0x1000  }
0x31: {  	[sflag:s19] =	ssyncset.done $0x0  }
0x32: {  	s13 =	rddreg [dreg:$0x9];
	[sflag:s19] =	ssyncadd.s32 $0xFFFFF000  }
0x33: {  	[spmem:s13] =	stream.linear.scatter [tilespmem:s21], [sflag:$0xB], $0x1000, $0x38;
	[tilespmem:$0x16220] =	vst v63  }
0x34: {  	_ =	swait.ge [sflag:s19], $0x1000  }
0x35: {  	[sflag:s19] =	ssyncset.done $0x0  }
0x36: {  	s12 =	rddreg [dreg:$0xa];
	[sflag:s19] =	ssyncadd.s32 $0xFFFFF000  }
0x37: {  	[spmem:s12] =	stream.linear.scatter [tilespmem:s21], [sflag:$0xB], $0x1000, $0x38;
	[tilespmem:$0x16220] =	vst v63  }
0x38: {  	_ =	swait.ge [sflag:s19], $0x1000  }
0x39: {  	[sflag:s19] =	ssyncset.done $0x0  }
0x3a: {  	s13 =	rddreg [dreg:$0xb];
	[sflag:s19] =	ssyncadd.s32 $0xFFFFF000  }
0x3b: {  	[spmem:s13] =	stream.linear.scatter [tilespmem:s21], [sflag:$0xB], $0x1000, $0x38;
	[tilespmem:$0x16220] =	vst v63  }
0x3c: {  	_ =	swait.ge [sflag:s19], $0x1000  }
0x3d: {  	[sflag:s19] =	ssyncset.done $0x0  }
0x3e: {  	s12 =	rddreg [dreg:$0xc];
	[sflag:s19] =	ssyncadd.s32 $0xFFFFF000  }
0x3f: {  	[spmem:s12] =	stream.linear.scatter [tilespmem:s21], [sflag:$0xB], $0x1000, $0x38;
	[tilespmem:$0x16220] =	vst v63  }
0x40: {  	_ =	swait.ge [sflag:s19], $0x1000  }
0x41: {  	[sflag:s19] =	ssyncset.done $0x0  }
0x42: {  	[sflag:s19] =	ssyncadd.s32 $0xFFFFF000  }
0x43: {  	[spmem:s15] =	stream.linear.scatter [tilespmem:s21], [sflag:$0xB], $0x1000, $0x38;
	[tilespmem:$0x16220] =	vst v63  }
0x44: {  	_ =	swait.ge [sflag:s19], $0x1000  }
0x45: {  	[sflag:s19] =	ssyncset.done $0x0  }
0x46: {  	[sflag:s19] =	ssyncadd.s32 $0xFFFFF000  }
0x47: {  	[spmem:s16] =	stream.linear.scatter [tilespmem:s21], [sflag:$0xB], $0x1000, $0x38;
	[tilespmem:$0x16220] =	vst v63  }
0x48: {  	_ =	swait.ge [sflag:s19], $0x1000  }
0x49: {  	[sflag:s19] =	ssyncset.done $0x0  }
0x4a: {  	[sflag:s19] =	ssyncadd.s32 $0xFFFFF000  }
0x4b: {  	[spmem:s17] =	stream.linear.scatter [tilespmem:s21], [sflag:$0xB], $0x1000, $0x38;
	[tilespmem:$0x16220] =	vst v63  }
0x4c: {  	_ =	swait.ge [sflag:s19], $0x1000  }
0x4d: {  	[sflag:s19] =	ssyncset.done $0x0  }
0x4e: {  	[sflag:s19] =	ssyncadd.s32 $0xFFFFF000  }
0x4f: {  	[spmem:s18] =	stream.linear.scatter [tilespmem:s21], [sflag:$0xB], $0x1000, $0x38;
	[tilespmem:$0x16220] =	vst v63  }
0x50: {  	_ =	swait.ge [sflag:s19], $0x1000  }
0x51: {  	[sflag:s19] =	ssyncset.done $0x0  }
0x52: {  	[sflag:s19] =	ssyncadd.s32 $0xFFFFF000  }
0x53: {  	s13 =	simm.s32 $0x0;
	[bflag:$0x0] =	sbarrier.arrive $0xFFFF  }
0x54: {  	[tilespmem:s23], [sflag:$0x1] =	stream.indirect.gather [hbm4b:s2+s22], $0x40, s13, s22, $0xb8;
	[tilespmem:$0x16220] =	vst v63  }
0x55: {  	_ = 	snop  }
0x56: {  	[tilespmem:s24], [sflag:$0x2] =	stream.indirect.gather [hbm4b:s2+s22], $0x40, s22, s22, $0xb8;
	[tilespmem:$0x16220] =	vst v63  }
0x57: {  	s12 =	simm.s32 $0xA0  }
0x58: {  	[tilespmem:s26], [sflag:$0x3] =	stream.indirect.gather [hbm4b:s2+s22], $0x40, s12, s22, $0xb8;
	[tilespmem:$0x16220] =	vst v63  }
0x59: {  	s13 =	simm.s32 $0xF0  }
0x5a: {  	[tilespmem:s29], [sflag:$0x4] =	stream.indirect.gather [hbm4b:s2+s22], $0x40, s13, s22, $0xb8;
	[tilespmem:$0x16220] =	vst v63  }
0x5b: {  	s12 =	simm.s32 $0x140  }
0x5c: {  	[tilespmem:s31], [sflag:$0x5] =	stream.indirect.gather [hbm4b:s2+s22], $0x40, s12, s22, $0xb8;
	[tilespmem:$0x16220] =	vst v63  }
0x5d: {  	_ =	swait.ge [sflag:s0], $0x1400  }
0x5e: {  	[sflag:s0] =	ssyncset.done $0x0  }
0x5f: {  	[sflag:s0] =	ssyncadd.s32 $0xFFFFEC00  }
0x60: {  	[spmem:s3] =	stream.indirect.scatter.add.bf16 [tilespmem:s23], [sflag:$0x6], $0x40, s20, s22, $0xb8;
	[tilespmem:$0x16220] =	vst v63  }
0x61: {  	_ =	swait.ge [sflag:s1], $0x1400  }
0x62: {  	[sflag:s1] =	ssyncset.done $0x0  }
0x63: {  	s13 =	simm.s32 $0x190;
	[sflag:s1] =	ssyncadd.s32 $0xFFFFEC00  }
0x64: {  	[tilespmem:s23], [sflag:$0x1] =	stream.indirect.gather [hbm4b:s2+s22], $0x40, s13, s22, $0xb8;
	[tilespmem:$0x16220] =	vst v63  }
0x65: {  	_ =	swait.ge [sflag:s28], $0x1400  }
0x66: {  	[sflag:s28] =	ssyncset.done $0x0  }
0x67: {  	s12 =	simm.s32 $0x2760;
	[sflag:s28] =	ssyncadd.s32 $0xFFFFEC00  }
0x68: {  	[spmem:s3] =	stream.indirect.scatter.add.bf16 [tilespmem:s24], [sflag:$0x7], $0x40, s12, s22, $0xb8;
	[tilespmem:$0x16220] =	vst v63  }
0x69: {  	_ =	swait.ge [sflag:s25], $0x1400  }
0x6a: {  	[sflag:s25] =	ssyncset.done $0x0  }
0x6b: {  	s13 =	simm.s32 $0x1E0;
	[sflag:s25] =	ssyncadd.s32 $0xFFFFEC00  }
0x6c: {  	[tilespmem:s24], [sflag:$0x2] =	stream.indirect.gather [hbm4b:s2+s22], $0x40, s13, s22, $0xb8;
	[tilespmem:$0x16220] =	vst v63  }
0x6d: {  	_ =	swait.ge [sflag:s30], $0x1400  }
0x6e: {  	[sflag:s30] =	ssyncset.done $0x0  }
0x6f: {  	s12 =	simm.s32 $0x27B0;
	[sflag:s30] =	ssyncadd.s32 $0xFFFFEC00  }
0x70: {  	[spmem:s3] =	stream.indirect.scatter.add.bf16 [tilespmem:s26], [sflag:$0x8], $0x40, s12, s22, $0xb8;
	[tilespmem:$0x16220] =	vst v63  }
0x71: {  	_ =	swait.ge [sflag:s4], $0x1400  }
0x72: {  	[sflag:s4] =	ssyncset.done $0x0  }
0x73: {  	s13 =	simm.s32 $0x230;
	[sflag:s4] =	ssyncadd.s32 $0xFFFFEC00  }
0x74: {  	[tilespmem:s26], [sflag:$0x3] =	stream.indirect.gather [hbm4b:s2+s22], $0x40, s13, s22, $0xb8;
	[tilespmem:$0x16220] =	vst v63  }
0x75: {  	_ =	swait.ge [sflag:s5], $0x1400  }
0x76: {  	[sflag:s5] =	ssyncset.done $0x0  }
0x77: {  	s12 =	simm.s32 $0x2800;
	[sflag:s5] =	ssyncadd.s32 $0xFFFFEC00  }
0x78: {  	[spmem:s3] =	stream.indirect.scatter.add.bf16 [tilespmem:s29], [sflag:$0x9], $0x40, s12, s22, $0xb8;
	[tilespmem:$0x16220] =	vst v63  }
0x79: {  	_ =	swait.ge [sflag:s6], $0x1400  }
0x7a: {  	[sflag:s6] =	ssyncset.done $0x0  }
0x7b: {  	s13 =	simm.s32 $0x280;
	[sflag:s6] =	ssyncadd.s32 $0xFFFFEC00  }
0x7c: {  	[tilespmem:s29], [sflag:$0x4] =	stream.indirect.gather [hbm4b:s2+s22], $0x40, s13, s22, $0xb8;
	[tilespmem:$0x16220] =	vst v63  }
0x7d: {  	_ =	swait.ge [sflag:s8], $0x1400  }
0x7e: {  	[sflag:s8] =	ssyncset.done $0x0  }
0x7f: {  	s12 =	simm.s32 $0x2850;
	[sflag:s8] =	ssyncadd.s32 $0xFFFFEC00  }
0x80: {  	[spmem:s3] =	stream.indirect.scatter.add.bf16 [tilespmem:s31], [sflag:$0xA], $0x40, s12, s22, $0xb8;
	[tilespmem:$0x16220] =	vst v63  }
0x81: {  	_ =	swait.ge [sflag:s9], $0x1400  }
0x82: {  	[sflag:s9] =	ssyncset.done $0x0  }
0x83: {  	s13 =	simm.s32 $0x2D0;
	[sflag:s9] =	ssyncadd.s32 $0xFFFFEC00  }
0x84: {  	[tilespmem:s31], [sflag:$0x5] =	stream.indirect.gather [hbm4b:s2+s22], $0x40, s13, s22, $0xb8;
	[tilespmem:$0x16220] =	vst v63  }
0x85: {  	_ =	swait.ge [sflag:s0], $0x1400  }
0x86: {  	[sflag:s0] =	ssyncset.done $0x0  }
0x87: {  	s12 =	simm.s32 $0x28A0;
	[sflag:s0] =	ssyncadd.s32 $0xFFFFEC00  }
0x88: {  	[spmem:s3] =	stream.indirect.scatter.add.bf16 [tilespmem:s23], [sflag:$0x6], $0x40, s12, s22, $0xb8;
	[tilespmem:$0x16220] =	vst v63  }
0x89: {  	_ =	swait.ge [sflag:s1], $0x1400  }
0x8a: {  	[sflag:s1] =	ssyncset.done $0x0  }
0x8b: {  	s13 =	simm.s32 $0x320;
	[sflag:s1] =	ssyncadd.s32 $0xFFFFEC00  }
0x8c: {  	[tilespmem:s23], [sflag:$0x1] =	stream.indirect.gather [hbm4b:s2+s22], $0x40, s13, s22, $0xb8;
	[tilespmem:$0x16220] =	vst v63  }
0x8d: {  	_ =	swait.ge [sflag:s28], $0x1400  }
0x8e: {  	[sflag:s28] =	ssyncset.done $0x0  }
0x8f: {  	s12 =	simm.s32 $0x28F0;
	[sflag:s28] =	ssyncadd.s32 $0xFFFFEC00  }
0x90: {  	[spmem:s3] =	stream.indirect.scatter.add.bf16 [tilespmem:s24], [sflag:$0x7], $0x40, s12, s22, $0xb8;
	[tilespmem:$0x16220] =	vst v63  }
0x91: {  	_ =	swait.ge [sflag:s25], $0x1400  }
0x92: {  	[sflag:s25] =	ssyncset.done $0x0  }
0x93: {  	s13 =	simm.s32 $0x370;
	[sflag:s25] =	ssyncadd.s32 $0xFFFFEC00  }
0x94: {  	[tilespmem:s24], [sflag:$0x2] =	stream.indirect.gather [hbm4b:s2+s22], $0x40, s13, s22, $0xb8;
	[tilespmem:$0x16220] =	vst v63  }
0x95: {  	_ =	swait.ge [sflag:s30], $0x1400  }
0x96: {  	[sflag:s30] =	ssyncset.done $0x0  }
0x97: {  	s12 =	simm.s32 $0x2940;
	[sflag:s30] =	ssyncadd.s32 $0xFFFFEC00  }
0x98: {  	[spmem:s3] =	stream.indirect.scatter.add.bf16 [tilespmem:s26], [sflag:$0x8], $0x40, s12, s22, $0xb8;
	[tilespmem:$0x16220] =	vst v63  }
0x99: {  	_ =	swait.ge [sflag:s4], $0x1400  }
0x9a: {  	[sflag:s4] =	ssyncset.done $0x0  }
0x9b: {  	s13 =	simm.s32 $0x3C0;
	[sflag:s4] =	ssyncadd.s32 $0xFFFFEC00  }
0x9c: {  	[tilespmem:s26], [sflag:$0x3] =	stream.indirect.gather [hbm4b:s2+s22], $0x40, s13, s22, $0xb8;
	[tilespmem:$0x16220] =	vst v63  }
0x9d: {  	_ =	swait.ge [sflag:s5], $0x1400  }
0x9e: {  	[sflag:s5] =	ssyncset.done $0x0  }
0x9f: {  	s12 =	simm.s32 $0x2990;
	[sflag:s5] =	ssyncadd.s32 $0xFFFFEC00  }
0xa0: {  	[spmem:s3] =	stream.indirect.scatter.add.bf16 [tilespmem:s29], [sflag:$0x9], $0x40, s12, s22, $0xb8;
	[tilespmem:$0x16220] =	vst v63  }
0xa1: {  	_ =	swait.ge [sflag:s6], $0x1400  }
0xa2: {  	[sflag:s6] =	ssyncset.done $0x0  }
0xa3: {  	s13 =	simm.s32 $0x410;
	[sflag:s6] =	ssyncadd.s32 $0xFFFFEC00  }
0xa4: {  	[tilespmem:s29], [sflag:$0x4] =	stream.indirect.gather [hbm4b:s2+s22], $0x40, s13, s22, $0xb8;
	[tilespmem:$0x16220] =	vst v63  }
0xa5: {  	_ =	swait.ge [sflag:s8], $0x1400  }
0xa6: {  	[sflag:s8] =	ssyncset.done $0x0  }
0xa7: {  	s11 =	simm.s32 $0x640;
	s12 =	simm.s32 $0x29E0;
	[sflag:s8] =	ssyncadd.s32 $0xFFFFEC00  }
.LBB2_4:
0xa8: {  	[spmem:s3] =	stream.indirect.scatter.add.bf16 [tilespmem:s31], [sflag:$0xA], $0x40, s12, s22, $0xb8;
	[tilespmem:$0x16220] =	vst v63  }
0xa9: {  	s12 =	smov.u32 s11;
	s11 =	sadd.s32 $0x640, s11;
	_ =	swait.ge [sflag:s9], $0x1400  }
0xaa: {  	s12 =	sshra.s32 s12, $0x2;
	p0 =	sne.s32 s11, $0x8FC0;
	[sflag:s9] =	ssyncset.done $0x0  }
0xab: {  	s13 =	sadd.s32 $0x2D0, s12;
	[sflag:s9] =	ssyncadd.s32 $0xFFFFEC00  }
0xac: {  	[tilespmem:s31], [sflag:$0x5] =	stream.indirect.gather [hbm4b:s2+s22], $0x40, s13, s22, $0xb8;
	[tilespmem:$0x16220] =	vst v63  }
0xad: {  	_ =	swait.ge [sflag:s0], $0x1400  }
0xae: {  	[sflag:s0] =	ssyncset.done $0x0  }
0xaf: {  	s13 =	sadd.s32 $0x28A0, s12;
	[sflag:s0] =	ssyncadd.s32 $0xFFFFEC00  }
0xb0: {  	[spmem:s3] =	stream.indirect.scatter.add.bf16 [tilespmem:s23], [sflag:$0x6], $0x40, s13, s22, $0xb8;
	[tilespmem:$0x16220] =	vst v63  }
0xb1: {  	_ =	swait.ge [sflag:s1], $0x1400  }
0xb2: {  	[sflag:s1] =	ssyncset.done $0x0  }
0xb3: {  	s13 =	sadd.s32 $0x320, s12;
	[sflag:s1] =	ssyncadd.s32 $0xFFFFEC00  }
0xb4: {  	[tilespmem:s23], [sflag:$0x1] =	stream.indirect.gather [hbm4b:s2+s22], $0x40, s13, s22, $0xb8;
	[tilespmem:$0x16220] =	vst v63  }
0xb5: {  	_ =	swait.ge [sflag:s28], $0x1400  }
0xb6: {  	[sflag:s28] =	ssyncset.done $0x0  }
0xb7: {  	s13 =	sadd.s32 $0x28F0, s12;
	[sflag:s28] =	ssyncadd.s32 $0xFFFFEC00  }
0xb8: {  	[spmem:s3] =	stream.indirect.scatter.add.bf16 [tilespmem:s24], [sflag:$0x7], $0x40, s13, s22, $0xb8;
	[tilespmem:$0x16220] =	vst v63  }
0xb9: {  	_ =	swait.ge [sflag:s25], $0x1400  }
0xba: {  	[sflag:s25] =	ssyncset.done $0x0  }
0xbb: {  	s13 =	sadd.s32 $0x370, s12;
	[sflag:s25] =	ssyncadd.s32 $0xFFFFEC00  }
0xbc: {  	[tilespmem:s24], [sflag:$0x2] =	stream.indirect.gather [hbm4b:s2+s22], $0x40, s13, s22, $0xb8;
	[tilespmem:$0x16220] =	vst v63  }
0xbd: {  	_ =	swait.ge [sflag:s30], $0x1400  }
0xbe: {  	[sflag:s30] =	ssyncset.done $0x0  }
0xbf: {  	s13 =	sadd.s32 $0x2940, s12;
	[sflag:s30] =	ssyncadd.s32 $0xFFFFEC00  }
0xc0: {  	[spmem:s3] =	stream.indirect.scatter.add.bf16 [tilespmem:s26], [sflag:$0x8], $0x40, s13, s22, $0xb8;
	[tilespmem:$0x16220] =	vst v63  }
0xc1: {  	_ =	swait.ge [sflag:s4], $0x1400  }
0xc2: {  	[sflag:s4] =	ssyncset.done $0x0  }
0xc3: {  	s13 =	sadd.s32 $0x3C0, s12;
	[sflag:s4] =	ssyncadd.s32 $0xFFFFEC00  }
0xc4: {  	[tilespmem:s26], [sflag:$0x3] =	stream.indirect.gather [hbm4b:s2+s22], $0x40, s13, s22, $0xb8;
	[tilespmem:$0x16220] =	vst v63  }
0xc5: {  	_ =	swait.ge [sflag:s5], $0x1400  }
0xc6: {  	[sflag:s5] =	ssyncset.done $0x0  }
0xc7: {  	s13 =	sadd.s32 $0x2990, s12;
	[sflag:s5] =	ssyncadd.s32 $0xFFFFEC00  }
0xc8: {  	[spmem:s3] =	stream.indirect.scatter.add.bf16 [tilespmem:s29], [sflag:$0x9], $0x40, s13, s22, $0xb8;
	[tilespmem:$0x16220] =	vst v63  }
0xc9: {  	_ =	swait.ge [sflag:s6], $0x1400  }
0xca: {  	[sflag:s6] =	ssyncset.done $0x0  }
.Ltmp1:
0xcb: {  	s13 =	sadd.s32 $0x410, s12;
	[sflag:s6] =	ssyncadd.s32 $0xFFFFEC00;
	(pc) =	sbr.rel @p0 .LBB2_4-.Ltmp1, $4  }
0xcc: {  	[tilespmem:s29], [sflag:$0x4] =	stream.indirect.gather [hbm4b:s2+s22], $0x40, s13, s22, $0xb8;
	[tilespmem:$0x16220] =	vst v63  }
0xcd: {  	_ =	swait.ge [sflag:s8], $0x1400  }
0xce: {  	[sflag:s8] =	ssyncset.done $0x0  }
0xcf: {  	s12 =	sadd.s32 $0x29E0, s12;
	[sflag:s8] =	ssyncadd.s32 $0xFFFFEC00  }
0xd0: {  	[spmem:s3] =	stream.indirect.scatter.add.bf16 [tilespmem:s31], [sflag:$0xA], $0x40, s12, s22, $0xb8;
	[tilespmem:$0x16220] =	vst v63  }
0xd1: {  	_ =	swait.ge [sflag:s9], $0x1400  }
0xd2: {  	s11 =	sshra.s32 s11, $0x2;
	[sflag:s9] =	ssyncset.done $0x0  }
0xd3: {  	s13 =	sadd.s32 $0x2D0, s11;
	[sflag:s9] =	ssyncadd.s32 $0xFFFFEC00  }
0xd4: {  	[tilespmem:s31], [sflag:$0x5] =	stream.indirect.gather [hbm4b:s2+s22], $0x40, s13, s22, $0xb8;
	[tilespmem:$0x16220] =	vst v63  }
0xd5: {  	_ =	swait.ge [sflag:s0], $0x1400  }
0xd6: {  	[sflag:s0] =	ssyncset.done $0x0  }
0xd7: {  	s13 =	sadd.s32 $0x28A0, s11;
	[sflag:s0] =	ssyncadd.s32 $0xFFFFEC00  }
0xd8: {  	[spmem:s3] =	stream.indirect.scatter.add.bf16 [tilespmem:s23], [sflag:$0x6], $0x40, s13, s22, $0xb8;
	[tilespmem:$0x16220] =	vst v63  }
0xd9: {  	_ =	swait.ge [sflag:s1], $0x1400  }
0xda: {  	[sflag:s1] =	ssyncset.done $0x0  }
0xdb: {  	[sflag:s1] =	ssyncadd.s32 $0xFFFFEC00  }
0xdc: {  	_ =	swait.ge [sflag:s28], $0x1400  }
0xdd: {  	[sflag:s28] =	ssyncset.done $0x0  }
0xde: {  	s13 =	sadd.s32 $0x28F0, s11;
	[sflag:s28] =	ssyncadd.s32 $0xFFFFEC00  }
0xdf: {  	[spmem:s3] =	stream.indirect.scatter.add.bf16 [tilespmem:s24], [sflag:$0x7], $0x40, s13, s22, $0xb8;
	[tilespmem:$0x16220] =	vst v63  }
0xe0: {  	_ =	swait.ge [sflag:s25], $0x1400  }
0xe1: {  	[sflag:s25] =	ssyncset.done $0x0  }
0xe2: {  	[sflag:s25] =	ssyncadd.s32 $0xFFFFEC00  }
0xe3: {  	_ =	swait.ge [sflag:s30], $0x1400  }
0xe4: {  	[sflag:s30] =	ssyncset.done $0x0  }
0xe5: {  	s13 =	sadd.s32 $0x2940, s11;
	[sflag:s30] =	ssyncadd.s32 $0xFFFFEC00  }
0xe6: {  	[spmem:s3] =	stream.indirect.scatter.add.bf16 [tilespmem:s26], [sflag:$0x8], $0x40, s13, s22, $0xb8;
	[tilespmem:$0x16220] =	vst v63  }
0xe7: {  	_ =	swait.ge [sflag:s4], $0x1400  }
0xe8: {  	[sflag:s4] =	ssyncset.done $0x0  }
0xe9: {  	[sflag:s4] =	ssyncadd.s32 $0xFFFFEC00  }
0xea: {  	_ =	swait.ge [sflag:s5], $0x1400  }
0xeb: {  	[sflag:s5] =	ssyncset.done $0x0  }
0xec: {  	s13 =	sadd.s32 $0x2990, s11;
	[sflag:s5] =	ssyncadd.s32 $0xFFFFEC00  }
0xed: {  	[spmem:s3] =	stream.indirect.scatter.add.bf16 [tilespmem:s29], [sflag:$0x9], $0x40, s13, s22, $0xb8;
	[tilespmem:$0x16220] =	vst v63  }
0xee: {  	_ =	swait.ge [sflag:s6], $0x1400  }
0xef: {  	[sflag:s6] =	ssyncset.done $0x0  }
0xf0: {  	[sflag:s6] =	ssyncadd.s32 $0xFFFFEC00  }
0xf1: {  	_ =	swait.ge [sflag:s8], $0x1400  }
0xf2: {  	[sflag:s8] =	ssyncset.done $0x0  }
0xf3: {  	s11 =	sadd.s32 $0x29E0, s11;
	[sflag:s8] =	ssyncadd.s32 $0xFFFFEC00  }
0xf4: {  	[spmem:s3] =	stream.indirect.scatter.add.bf16 [tilespmem:s31], [sflag:$0xA], $0x40, s11, s22, $0xb8;
	[tilespmem:$0x16220] =	vst v63  }
0xf5: {  	_ =	swait.ge [sflag:s9], $0x1400  }
0xf6: {  	[sflag:s9] =	ssyncset.done $0x0  }
0xf7: {  	s12 =	stileid.u32;
	[sflag:s9] =	ssyncadd.s32 $0xFFFFEC00  }
0xf8: {  	s11 =	sshll.u32 s12, $0x6;
	[bflag:$0x0] =	sbarrier.arrive $0xFFFF  }
0xf9: {  	s12 =	sshrl.u32 s7, $0x3;
	s11 =	sor.u32 $0x1C0B, s11;
	s13 =	rddreg [dreg:$0x6]  }
0xfa: {  	[hbm:s13@s14], [sflag:s11] =	dma.strided [spmem:s12@s4], $0x1400, s0, $0x8   }
0xfb: {  	_ =	swait.ge [sflag:s19], $0x1400  }
0xfc: {  	s10 =	sadd.s32 $0x1, s10;
	s13 =	rddreg [dreg:$0x7]  }
0xfd: {  	p0 =	sne.s32 s10, s13  }
.Ltmp2:
0xfe: {  	_ = 	snop;
	(pc) =	sbr.rel @p0 .LBB2_1-.Ltmp2, $3  }
0xff: {  	_ =	sdelay $0x1  }
0x100: {  	[sflag:s19] =	ssyncset.done $0x0  }
0x101: {  	[sflag:s19] =	ssyncadd.s32 $0xFFFFEC00  }
0x102: {  	_ =	sfence.sel $0x180000  }
0x103: {  	[bflag:$0x0] =	sbarrier.arrive $0xFFFF  }
0x104: {  	_ =	strace $0x9000004A  }
0x105: {  	s0 =	stileid.u32;
	[bflag:$0x2] =	sbarrier.arrive $0xFFFF  }
0x106: {  	p0 =	sne.s32 s0, $0x0;
	s0 =	rddreg [dreg:$0x3]  }
0x107: {  	s0 =	sadd.s32 @!p0 $0x100000, s0  }
0x108: {  	[sflag:s0] =	ssyncadd.tile.s32 @!p0 $0x1;
	_ =	shalt  }
.Lfunc_end2:
_tile_overlayer_lowered:
.L_overlay_start_2:
0x109: {  	(tag) =	ssettag $0x2  }
0x10a: {  	s0 =	rddreg [dreg:$0x0];
	s2 =	stileid.u32  }
0x10b: {  	s1 =	rddreg [dreg:$0x1];
	p0 =	sne.s32 s2, $0x0  }
0x10c: {  	s3 =	rddreg [dreg:$0x2];
	[bflag:$0x3] =	sbarrier.arrive $0xFFFF;
	s2 =	simm.s32 @!p0 $0x1C0B  }
0x10d: {  	[timem:s3], [sflag:s2] =	dma.local @!p0 [hbm:s0], s1  }
0x10e: {  	s0 =	simm.s32 @!p0 $0xB  }
0x10f: {  	_ =	swait.ge @!p0 [sflag:s0], s1  }
0x110: {  	s1 =	ssub.s32 @!p0 $0x0, s1;
	[sflag:s0] =	ssyncset.done @!p0 $0x0  }
0x111: {  	[sflag:s0] =	ssyncadd.s32 @!p0 s1  }
0x112: {  	[bflag:$0x3] =	sbarrier.arrive $0xFFFF  }
0x113: {  	_ =	shalt  }

</sc_bundles>
